<compile_context>
chip_gen: v7x
topology: tpu7x:2x2x1
jax: 0.10.2.dev20260603
libtpu: 0.0.44.dev20260713+nightly
codegen_flags: <defaults>
</compile_context>

<pallas_src>
import jax
import jax.numpy as jnp
from jax import lax
from jax.experimental import pallas as pl
from jax.experimental.pallas import tpu as pltpu
from jax.experimental.pallas import tpu_sc as plsc

N = 8192
E = 262144
NC = 2
NS = 16
NW = NC * NS
C = E // NW
VPT = C // 16
RB = N // 16
SLICE = N // NW
SR = RB // NW
PWPAD = 272

_mesh = plsc.VectorSubcoreMesh(
    core_axis_name="c", subcore_axis_name="s", num_cores=NC, num_subcores=NS)
_cp = pltpu.CompilerParams(needs_layout_passes=False)


def _spmv_body(key_h, pidx_h, x_h, pw_h, zero_h, part_h,
               key_v, pidx_v, x_v, pw_v, acc_v, sem):
    wid = lax.axis_index("s") * NC + lax.axis_index("c")
    base = wid * C
    cps = [
        pltpu.async_copy(key_h.at[pl.ds(base, C)], key_v, sem),
        pltpu.async_copy(pidx_h.at[pl.ds(base, C)], pidx_v, sem),
        pltpu.async_copy(x_h, x_v, sem),
        pltpu.async_copy(pw_h, pw_v, sem),
        pltpu.async_copy(zero_h, acc_v, sem),
    ]
    for cp in cps:
        cp.wait()

    @plsc.parallel_loop(0, VPT, unroll=8)
    def step(t):
        off = t * 16
        k = key_v[pl.ds(off, 16)]
        pf = pidx_v[pl.ds(off, 16)]
        p = pf.astype(jnp.int32)
        col = lax.bitwise_and(k, N - 1)
        row = lax.shift_right_logical(k, 13)
        rhi = lax.shift_right_logical(row, 4)
        rlo = lax.bitwise_and(row, 15)
        w = plsc.load_gather(pw_v, [p])
        xv = plsc.load_gather(x_v, [col])
        plsc.addupdate_scatter(acc_v, [rhi, rlo], w * xv)

    pltpu.sync_copy(acc_v, part_h.at[pl.ds(wid * RB, RB)])


_spmv_call = pl.kernel(
    _spmv_body,
    out_type=jax.ShapeDtypeStruct((NW * RB, 16), jnp.float32),
    mesh=_mesh,
    scratch_types=[
        pltpu.VMEM((C,), jnp.int32),
        pltpu.VMEM((C,), jnp.float32),
        pltpu.VMEM((N,), jnp.float32),
        pltpu.VMEM((PWPAD,), jnp.float32),
        pltpu.VMEM((RB, 16), jnp.float32),
        pltpu.SemaphoreType.DMA,
    ],
    compiler_params=_cp,
)


def _reduce_body(part_h, pb_h, bidx_h, out_h, stage_v, red_v, bidx_v, pb_v,
                 sem):
    wid = lax.axis_index("s") * NC + lax.axis_index("c")
    rbase = wid * SR
    cps = [
        pltpu.async_copy(part_h.at[pl.ds(s * RB + rbase, SR)],
                         stage_v.at[pl.ds(s * SR, SR)], sem)
        for s in range(NW)
    ]
    cps.append(pltpu.async_copy(bidx_h.at[pl.ds(wid * SLICE, SLICE)],
                                bidx_v, sem))
    cps.append(pltpu.async_copy(pb_h, pb_v, sem))
    for cp in cps:
        cp.wait()

    def fin_step(t, carry):
        v = stage_v[t]
        for s in range(1, NW):
            v = v + stage_v[s * SR + t]
        bi = bidx_v[pl.ds(t * 16, 16)]
        v = v + plsc.load_gather(pb_v, [bi])
        red_v[t] = v
        return carry

    lax.fori_loop(0, SR, fin_step, 0)
    pltpu.sync_copy(red_v, out_h.at[pl.ds(rbase, SR)])


_reduce_call = pl.kernel(
    _reduce_body,
    out_type=jax.ShapeDtypeStruct((RB, 16), jnp.float32),
    mesh=_mesh,
    scratch_types=[
        pltpu.VMEM((NW * SR, 16), jnp.float32),
        pltpu.VMEM((SR, 16), jnp.float32),
        pltpu.VMEM((SLICE,), jnp.int32),
        pltpu.VMEM((16,), jnp.float32),
        pltpu.SemaphoreType.DMA,
    ],
    compiler_params=_cp,
)


def kernel(x, param_w, param_b, weight_ij, weight_pidx, bias_idx):
    xf = x.reshape(-1)
    key = weight_ij[:, 0] * N + weight_ij[:, 1]
    pidx_f = weight_pidx.astype(jnp.float32)
    key_s, pidx_fs = lax.sort((key, pidx_f), dimension=0, num_keys=1,
                              is_stable=False)
    nxt = jnp.concatenate([key_s[1:], jnp.full((1,), -1, key_s.dtype)])
    pidx_eff = jnp.where(key_s != nxt, pidx_fs, jnp.float32(PWPAD - 16))
    pw_pad = jnp.concatenate(
        [param_w, jnp.zeros((PWPAD - param_w.shape[0],), param_w.dtype)])
    pb_pad = jnp.concatenate(
        [param_b, jnp.zeros((16 - param_b.shape[0],), param_b.dtype)])
    zero = jnp.zeros((RB, 16), jnp.float32)
    parts = _spmv_call(key_s, pidx_eff, xf, pw_pad, zero)
    y2d = _reduce_call(parts, pb_pad, bias_idx)
    return y2d.reshape(N)

# --- scband reference (transcript-rebuilt; emitter-appended) ---
"""Pipeline reference for scband-graph-conv-distance-layer-70016556859564 (READ-ONLY COPY).

The authoritative reference and input builder live on the scoring server;
editing this copy changes nothing except your own understanding.
"""

import jax, jax.numpy as jnp
import numpy as np

N = 8192            # input_size = n_nodes * in_features (in_features=1)
N_ENTRIES = 262144  # nonzero weight positions (~avg_degree 32 per node)
N_PARAM_W = 256     # in_features * n_node_labels^2 * max_distance * n_kernels = 1*8*8*4*1
N_PARAM_B = 8       # in_features * n_node_labels * n_kernels


def setup_inputs(seed: int = 0) -> dict:
    key = jax.random.key(seed)
    k1, k2, k3, k4, k5, k6 = jax.random.split(key, 6)
    x = jax.random.normal(k1, (N, 1), dtype=jnp.float32)
    param_w = jax.random.normal(k2, (N_PARAM_W,), dtype=jnp.float32)
    param_b = jax.random.normal(k3, (N_PARAM_B,), dtype=jnp.float32)
    weight_ij = jax.random.randint(k4, (N_ENTRIES, 2), 0, N, dtype=jnp.int32)
    weight_pidx = jax.random.randint(k5, (N_ENTRIES,), 0, N_PARAM_W, dtype=jnp.int32)
    bias_idx = jax.random.randint(k6, (N,), 0, N_PARAM_B, dtype=jnp.int32)
    return {
        'x': x,
        'param_w': param_w,
        'param_b': param_b,
        'weight_ij': weight_ij,
        'weight_pidx': weight_pidx,
        'bias_idx': bias_idx,
    }


def reference(x, param_w, param_b, weight_ij, weight_pidx, bias_idx):
    # forward: x.view(-1); W = set_weights(...) scatter of shared params; mv(W, x) + bias
    xf = x.reshape(-1)
    n = xf.shape[0]
    # set_weights: W = zeros((n, n)); W[i, j] = Param_W[k] for each (i, j, k) entry
    W = jnp.zeros((n, n), dtype=param_w.dtype)
    W = W.at[weight_ij[:, 0], weight_ij[:, 1]].set(param_w[weight_pidx])
    # set_bias_weights: bias = zeros(n); bias[i] = Param_b[idx]
    bias = jnp.zeros((n,), dtype=param_b.dtype)
    bias = bias.at[jnp.arange(n)].set(param_b[bias_idx])
    # torch.mv(W, x) + bias
    return W @ xf + bias

if __name__ == "__main__":
    import jax
    _d = setup_inputs()
    print(jax.jit(kernel)(*tuple(_d.values())))

</pallas_src>

<mosaic_0001>
#map = affine_map<(d0, d1) -> (0)>
#map1 = affine_map<(d0, d1) -> (0, 0)>
module attributes {stable_mosaic.version = 14 : i64} {
  func.func @_spmv_body(%arg0: i32, %arg1: i32, %arg2: memref<262144xi32, #tpu.memory_space<hbm>>, %arg3: memref<262144xf32, #tpu.memory_space<hbm>>, %arg4: memref<8192xf32, #tpu.memory_space<hbm>>, %arg5: memref<272xf32, #tpu.memory_space<hbm>>, %arg6: memref<512x16xf32, #tpu.memory_space<hbm>>, %arg7: memref<16384x16xf32, #tpu.memory_space<hbm>>, %arg8: memref<8192xi32, #tpu.memory_space<vmem>>, %arg9: memref<8192xf32, #tpu.memory_space<vmem>>, %arg10: memref<8192xf32, #tpu.memory_space<vmem>>, %arg11: memref<272xf32, #tpu.memory_space<vmem>>, %arg12: memref<512x16xf32, #tpu.memory_space<vmem>>, %arg13: memref<!tpu.dma_semaphore, #tpu.memory_space<semaphore_mem>>) attributes {dimension_semantics = [#tpu.dimension_semantics<core_parallel>, #tpu.dimension_semantics<subcore_parallel>], iteration_bounds = array<i64: 2, 16>, scalar_prefetch = 0 : i64, scratch_operands = 6 : i64, tpu.core_type = #tpu.core_type<sc_vector_subcore>, window_params = [{transform_indices = #map}, {transform_indices = #map}, {transform_indices = #map}, {transform_indices = #map}, {transform_indices = #map1}, {transform_indices = #map1}]} {
    %mul3A = arith.constant 2 : i32
    %mul3A_0 = arith.muli %arg1, %mul3A : i32
    %add3A = arith.addi %mul3A_0, %arg0 : i32
    %mul3A_1 = arith.constant 8192 : i32
    %mul3A_2 = arith.muli %add3A, %mul3A_1 : i32
    %dma_start3A = tpu.memref_slice %arg2[%mul3A_2] : memref<262144xi32, #tpu.memory_space<hbm>> -> memref<8192xi32, #tpu.memory_space<hbm>>
    %dma_start3A_3 = tpu.memref_slice %arg2[%mul3A_2] : memref<262144xi32, #tpu.memory_space<hbm>> -> memref<8192xi32, #tpu.memory_space<hbm>>
    tpu.enqueue_dma source(%dma_start3A_3 : memref<8192xi32, #tpu.memory_space<hbm>>) target(%arg8 : memref<8192xi32, #tpu.memory_space<vmem>>) target_semaphore(%arg13 : memref<!tpu.dma_semaphore, #tpu.memory_space<semaphore_mem>>)
    %dma_start3A_4 = tpu.memref_slice %arg3[%mul3A_2] : memref<262144xf32, #tpu.memory_space<hbm>> -> memref<8192xf32, #tpu.memory_space<hbm>>
    %dma_start3A_5 = tpu.memref_slice %arg3[%mul3A_2] : memref<262144xf32, #tpu.memory_space<hbm>> -> memref<8192xf32, #tpu.memory_space<hbm>>
    tpu.enqueue_dma source(%dma_start3A_5 : memref<8192xf32, #tpu.memory_space<hbm>>) target(%arg9 : memref<8192xf32, #tpu.memory_space<vmem>>) target_semaphore(%arg13 : memref<!tpu.dma_semaphore, #tpu.memory_space<semaphore_mem>>)
    tpu.enqueue_dma source(%arg4 : memref<8192xf32, #tpu.memory_space<hbm>>) target(%arg10 : memref<8192xf32, #tpu.memory_space<vmem>>) target_semaphore(%arg13 : memref<!tpu.dma_semaphore, #tpu.memory_space<semaphore_mem>>)
    tpu.enqueue_dma source(%arg5 : memref<272xf32, #tpu.memory_space<hbm>>) target(%arg11 : memref<272xf32, #tpu.memory_space<vmem>>) target_semaphore(%arg13 : memref<!tpu.dma_semaphore, #tpu.memory_space<semaphore_mem>>)
    tpu.enqueue_dma source(%arg6 : memref<512x16xf32, #tpu.memory_space<hbm>>) target(%arg12 : memref<512x16xf32, #tpu.memory_space<vmem>>) target_semaphore(%arg13 : memref<!tpu.dma_semaphore, #tpu.memory_space<semaphore_mem>>)
    %dma_wait3A = tpu.memref_slice %arg2[%mul3A_2] : memref<262144xi32, #tpu.memory_space<hbm>> -> memref<8192xi32, #tpu.memory_space<hbm>>
    %dma_wait3A_6 = tpu.memref_slice %arg2[%mul3A_2] : memref<262144xi32, #tpu.memory_space<hbm>> -> memref<8192xi32, #tpu.memory_space<hbm>>
    tpu.wait_dma2 semaphore(%arg13 : memref<!tpu.dma_semaphore, #tpu.memory_space<semaphore_mem>>) src(%dma_wait3A_6 : memref<8192xi32, #tpu.memory_space<hbm>>) dst(%arg8 : memref<8192xi32, #tpu.memory_space<vmem>>)
    %dma_wait3A_7 = tpu.memref_slice %arg3[%mul3A_2] : memref<262144xf32, #tpu.memory_space<hbm>> -> memref<8192xf32, #tpu.memory_space<hbm>>
    %dma_wait3A_8 = tpu.memref_slice %arg3[%mul3A_2] : memref<262144xf32, #tpu.memory_space<hbm>> -> memref<8192xf32, #tpu.memory_space<hbm>>
    tpu.wait_dma2 semaphore(%arg13 : memref<!tpu.dma_semaphore, #tpu.memory_space<semaphore_mem>>) src(%dma_wait3A_8 : memref<8192xf32, #tpu.memory_space<hbm>>) dst(%arg9 : memref<8192xf32, #tpu.memory_space<vmem>>)
    tpu.wait_dma2 semaphore(%arg13 : memref<!tpu.dma_semaphore, #tpu.memory_space<semaphore_mem>>) src(%arg4 : memref<8192xf32, #tpu.memory_space<hbm>>) dst(%arg10 : memref<8192xf32, #tpu.memory_space<vmem>>)
    tpu.wait_dma2 semaphore(%arg13 : memref<!tpu.dma_semaphore, #tpu.memory_space<semaphore_mem>>) src(%arg5 : memref<272xf32, #tpu.memory_space<hbm>>) dst(%arg11 : memref<272xf32, #tpu.memory_space<vmem>>)
    tpu.wait_dma2 semaphore(%arg13 : memref<!tpu.dma_semaphore, #tpu.memory_space<semaphore_mem>>) src(%arg6 : memref<512x16xf32, #tpu.memory_space<hbm>>) dst(%arg12 : memref<512x16xf32, #tpu.memory_space<vmem>>)
    %parallel_loop3A = arith.constant 0 : i32
    %parallel_loop3A_9 = arith.constant 512 : i32
    %parallel_loop3A_10 = arith.constant 1 : i32
    scf.for %parallel_loop3A_13 = %parallel_loop3A to %parallel_loop3A_9 step %parallel_loop3A_10  : i32 {
      %parallel_loop3A_14 = arith.constant 16 : i32
      %parallel_loop3A_15 = arith.muli %parallel_loop3A_13, %parallel_loop3A_14 : i32
      %parallel_loop3A_16 = arith.index_cast %parallel_loop3A_15 : i32 to index
      %parallel_loop3A_17 = tpu.vector_load %arg8[%parallel_loop3A_16] {strides = array<i32>} : memref<8192xi32, #tpu.memory_space<vmem>>, vector<16xi32>,
      %parallel_loop3A_18 = arith.index_cast %parallel_loop3A_15 : i32 to index
      %parallel_loop3A_19 = tpu.vector_load %arg9[%parallel_loop3A_18] {strides = array<i32>} : memref<8192xf32, #tpu.memory_space<vmem>>, vector<16xf32>,
      %parallel_loop3A_20 = arith.fptosi %parallel_loop3A_19 : vector<16xf32> to vector<16xi32>
      %parallel_loop3A_21 = arith.constant 8191 : i32
      %parallel_loop3A_22 = vector.broadcast %parallel_loop3A_21 : i32 to vector<16xi32>
      %parallel_loop3A_23 = arith.andi %parallel_loop3A_17, %parallel_loop3A_22 : vector<16xi32>
      %parallel_loop3A_24 = arith.constant 13 : i32
      %parallel_loop3A_25 = vector.broadcast %parallel_loop3A_24 : i32 to vector<16xi32>
      %parallel_loop3A_26 = arith.shrui %parallel_loop3A_17, %parallel_loop3A_25 : vector<16xi32>
      %parallel_loop3A_27 = arith.constant 4 : i32
      %parallel_loop3A_28 = vector.broadcast %parallel_loop3A_27 : i32 to vector<16xi32>
      %parallel_loop3A_29 = arith.shrui %parallel_loop3A_26, %parallel_loop3A_28 : vector<16xi32>
      %parallel_loop3A_30 = arith.constant 15 : i32
      %parallel_loop3A_31 = vector.broadcast %parallel_loop3A_30 : i32 to vector<16xi32>
      %parallel_loop3A_32 = arith.andi %parallel_loop3A_26, %parallel_loop3A_31 : vector<16xi32>
      %parallel_loop3A_33 = tpu.vector_load_idx %arg11[%parallel_loop3A_20] : memref<272xf32, #tpu.memory_space<vmem>>[vector<16xi32>], vector<16xf32>,
      %parallel_loop3A_34 = tpu.vector_load_idx %arg10[%parallel_loop3A_23] : memref<8192xf32, #tpu.memory_space<vmem>>[vector<16xi32>], vector<16xf32>,
      %parallel_loop3A_35 = arith.mulf %parallel_loop3A_33, %parallel_loop3A_34 : vector<16xf32>
      tpu.vector_store_idx %arg12[%parallel_loop3A_29, %parallel_loop3A_32], %parallel_loop3A_35 {add = true} : memref<512x16xf32, #tpu.memory_space<vmem>>[vector<16xi32>, vector<16xi32>], vector<16xf32>,
    } {sc.loop_unroll_factor = 8 : i64, sc.parallel_access}
    %mul3A_11 = arith.constant 512 : i32
    %mul3A_12 = arith.muli %add3A, %mul3A_11 : i32
    "tpu.region"() ({
      %run_scoped3A = tpu.sem_alloc : memref<!tpu.dma_semaphore, #tpu.memory_space<semaphore_mem>>
      %dma_start3A_13 = arith.constant 0 : i32
      %dma_start3A_14 = tpu.memref_slice %arg7[%mul3A_12, %dma_start3A_13] : memref<16384x16xf32, #tpu.memory_space<hbm>> -> memref<512x16xf32, #tpu.memory_space<hbm>>
      %dma_start3A_15 = arith.constant 0 : i32
      %dma_start3A_16 = tpu.memref_slice %arg7[%mul3A_12, %dma_start3A_15] : memref<16384x16xf32, #tpu.memory_space<hbm>> -> memref<512x16xf32, #tpu.memory_space<hbm>>
      tpu.enqueue_dma source(%arg12 : memref<512x16xf32, #tpu.memory_space<vmem>>) target(%dma_start3A_16 : memref<512x16xf32, #tpu.memory_space<hbm>>) target_semaphore(%run_scoped3A : memref<!tpu.dma_semaphore, #tpu.memory_space<semaphore_mem>>)
      %dma_wait3A_17 = arith.constant 0 : i32
      %dma_wait3A_18 = tpu.memref_slice %arg7[%mul3A_12, %dma_wait3A_17] : memref<16384x16xf32, #tpu.memory_space<hbm>> -> memref<512x16xf32, #tpu.memory_space<hbm>>
      %dma_wait3A_19 = arith.constant 0 : i32
      %dma_wait3A_20 = tpu.memref_slice %arg7[%mul3A_12, %dma_wait3A_19] : memref<16384x16xf32, #tpu.memory_space<hbm>> -> memref<512x16xf32, #tpu.memory_space<hbm>>
      tpu.wait_dma2 semaphore(%run_scoped3A : memref<!tpu.dma_semaphore, #tpu.memory_space<semaphore_mem>>) src(%arg12 : memref<512x16xf32, #tpu.memory_space<vmem>>) dst(%dma_wait3A_20 : memref<512x16xf32, #tpu.memory_space<hbm>>)
      tpu.yield
    }) : () -> ()
    return
  }
}

#map = affine_map<(d0, d1) -> (0, 0)>
#map1 = affine_map<(d0, d1) -> (0)>
module attributes {stable_mosaic.version = 14 : i64} {
  func.func @_reduce_body(%arg0: i32, %arg1: i32, %arg2: memref<16384x16xf32, #tpu.memory_space<hbm>>, %arg3: memref<16xf32, #tpu.memory_space<hbm>>, %arg4: memref<8192xi32, #tpu.memory_space<hbm>>, %arg5: memref<512x16xf32, #tpu.memory_space<hbm>>, %arg6: memref<512x16xf32, #tpu.memory_space<vmem>>, %arg7: memref<16x16xf32, #tpu.memory_space<vmem>>, %arg8: memref<256xi32, #tpu.memory_space<vmem>>, %arg9: memref<16xf32, #tpu.memory_space<vmem>>, %arg10: memref<!tpu.dma_semaphore, #tpu.memory_space<semaphore_mem>>) attributes {dimension_semantics = [#tpu.dimension_semantics<core_parallel>, #tpu.dimension_semantics<subcore_parallel>], iteration_bounds = array<i64: 2, 16>, scalar_prefetch = 0 : i64, scratch_operands = 5 : i64, tpu.core_type = #tpu.core_type<sc_vector_subcore>, window_params = [{transform_indices = #map}, {transform_indices = #map1}, {transform_indices = #map1}, {transform_indices = #map}]} {
    %mul3A = arith.constant 2 : i32
    %mul3A_0 = arith.muli %arg1, %mul3A : i32
    %add3A = arith.addi %mul3A_0, %arg0 : i32
    %mul3A_1 = arith.constant 16 : i32
    %mul3A_2 = arith.muli %add3A, %mul3A_1 : i32
    %add3A_3 = arith.constant 0 : i32
    %add3A_4 = arith.addi %add3A_3, %mul3A_2 : i32
    %dma_start3A = arith.constant 0 : i32
    %dma_start3A_5 = arith.constant 0 : i32
    %dma_start3A_6 = tpu.memref_slice %arg6[%dma_start3A, %dma_start3A_5] : memref<512x16xf32, #tpu.memory_space<vmem>> -> memref<16x16xf32, #tpu.memory_space<vmem>>
    %dma_start3A_7 = arith.constant 0 : i32
    %dma_start3A_8 = tpu.memref_slice %arg2[%add3A_4, %dma_start3A_7] : memref<16384x16xf32, #tpu.memory_space<hbm>> -> memref<16x16xf32, #tpu.memory_space<hbm>>
    %dma_start3A_9 = arith.constant 0 : i32
    %dma_start3A_10 = arith.constant 0 : i32
    %dma_start3A_11 = tpu.memref_slice %arg6[%dma_start3A_9, %dma_start3A_10] : memref<512x16xf32, #tpu.memory_space<vmem>> -> memref<16x16xf32, #tpu.memory_space<vmem>>
    %dma_start3A_12 = arith.constant 0 : i32
    %dma_start3A_13 = tpu.memref_slice %arg2[%add3A_4, %dma_start3A_12] : memref<16384x16xf32, #tpu.memory_space<hbm>> -> memref<16x16xf32, #tpu.memory_space<hbm>>
    tpu.enqueue_dma source(%dma_start3A_13 : memref<16x16xf32, #tpu.memory_space<hbm>>) target(%dma_start3A_11 : memref<16x16xf32, #tpu.memory_space<vmem>>) target_semaphore(%arg10 : memref<!tpu.dma_semaphore, #tpu.memory_space<semaphore_mem>>)
    %add3A_14 = arith.constant 512 : i32
    %add3A_15 = arith.addi %add3A_14, %mul3A_2 : i32
    %dma_start3A_16 = arith.constant 16 : i32
    %dma_start3A_17 = arith.constant 0 : i32
    %dma_start3A_18 = tpu.memref_slice %arg6[%dma_start3A_16, %dma_start3A_17] : memref<512x16xf32, #tpu.memory_space<vmem>> -> memref<16x16xf32, #tpu.memory_space<vmem>>
    %dma_start3A_19 = arith.constant 0 : i32
    %dma_start3A_20 = tpu.memref_slice %arg2[%add3A_15, %dma_start3A_19] : memref<16384x16xf32, #tpu.memory_space<hbm>> -> memref<16x16xf32, #tpu.memory_space<hbm>>
    %dma_start3A_21 = arith.constant 16 : i32
    %dma_start3A_22 = arith.constant 0 : i32
    %dma_start3A_23 = tpu.memref_slice %arg6[%dma_start3A_21, %dma_start3A_22] : memref<512x16xf32, #tpu.memory_space<vmem>> -> memref<16x16xf32, #tpu.memory_space<vmem>>
    %dma_start3A_24 = arith.constant 0 : i32
    %dma_start3A_25 = tpu.memref_slice %arg2[%add3A_15, %dma_start3A_24] : memref<16384x16xf32, #tpu.memory_space<hbm>> -> memref<16x16xf32, #tpu.memory_space<hbm>>
    tpu.enqueue_dma source(%dma_start3A_25 : memref<16x16xf32, #tpu.memory_space<hbm>>) target(%dma_start3A_23 : memref<16x16xf32, #tpu.memory_space<vmem>>) target_semaphore(%arg10 : memref<!tpu.dma_semaphore, #tpu.memory_space<semaphore_mem>>)
    %add3A_26 = arith.constant 1024 : i32
    %add3A_27 = arith.addi %add3A_26, %mul3A_2 : i32
    %dma_start3A_28 = arith.constant 32 : i32
    %dma_start3A_29 = arith.constant 0 : i32
    %dma_start3A_30 = tpu.memref_slice %arg6[%dma_start3A_28, %dma_start3A_29] : memref<512x16xf32, #tpu.memory_space<vmem>> -> memref<16x16xf32, #tpu.memory_space<vmem>>
    %dma_start3A_31 = arith.constant 0 : i32
    %dma_start3A_32 = tpu.memref_slice %arg2[%add3A_27, %dma_start3A_31] : memref<16384x16xf32, #tpu.memory_space<hbm>> -> memref<16x16xf32, #tpu.memory_space<hbm>>
    %dma_start3A_33 = arith.constant 32 : i32
    %dma_start3A_34 = arith.constant 0 : i32
    %dma_start3A_35 = tpu.memref_slice %arg6[%dma_start3A_33, %dma_start3A_34] : memref<512x16xf32, #tpu.memory_space<vmem>> -> memref<16x16xf32, #tpu.memory_space<vmem>>
    %dma_start3A_36 = arith.constant 0 : i32
    %dma_start3A_37 = tpu.memref_slice %arg2[%add3A_27, %dma_start3A_36] : memref<16384x16xf32, #tpu.memory_space<hbm>> -> memref<16x16xf32, #tpu.memory_space<hbm>>
    tpu.enqueue_dma source(%dma_start3A_37 : memref<16x16xf32, #tpu.memory_space<hbm>>) target(%dma_start3A_35 : memref<16x16xf32, #tpu.memory_space<vmem>>) target_semaphore(%arg10 : memref<!tpu.dma_semaphore, #tpu.memory_space<semaphore_mem>>)
    %add3A_38 = arith.constant 1536 : i32
    %add3A_39 = arith.addi %add3A_38, %mul3A_2 : i32
    %dma_start3A_40 = arith.constant 48 : i32
    %dma_start3A_41 = arith.constant 0 : i32
    %dma_start3A_42 = tpu.memref_slice %arg6[%dma_start3A_40, %dma_start3A_41] : memref<512x16xf32, #tpu.memory_space<vmem>> -> memref<16x16xf32, #tpu.memory_space<vmem>>
    %dma_start3A_43 = arith.constant 0 : i32
    %dma_start3A_44 = tpu.memref_slice %arg2[%add3A_39, %dma_start3A_43] : memref<16384x16xf32, #tpu.memory_space<hbm>> -> memref<16x16xf32, #tpu.memory_space<hbm>>
    %dma_start3A_45 = arith.constant 48 : i32
    %dma_start3A_46 = arith.constant 0 : i32
    %dma_start3A_47 = tpu.memref_slice %arg6[%dma_start3A_45, %dma_start3A_46] : memref<512x16xf32, #tpu.memory_space<vmem>> -> memref<16x16xf32, #tpu.memory_space<vmem>>
    %dma_start3A_48 = arith.constant 0 : i32
    %dma_start3A_49 = tpu.memref_slice %arg2[%add3A_39, %dma_start3A_48] : memref<16384x16xf32, #tpu.memory_space<hbm>> -> memref<16x16xf32, #tpu.memory_space<hbm>>
    tpu.enqueue_dma source(%dma_start3A_49 : memref<16x16xf32, #tpu.memory_space<hbm>>) target(%dma_start3A_47 : memref<16x16xf32, #tpu.memory_space<vmem>>) target_semaphore(%arg10 : memref<!tpu.dma_semaphore, #tpu.memory_space<semaphore_mem>>)
    %add3A_50 = arith.constant 2048 : i32
    %add3A_51 = arith.addi %add3A_50, %mul3A_2 : i32
    %dma_start3A_52 = arith.constant 64 : i32
    %dma_start3A_53 = arith.constant 0 : i32
    %dma_start3A_54 = tpu.memref_slice %arg6[%dma_start3A_52, %dma_start3A_53] : memref<512x16xf32, #tpu.memory_space<vmem>> -> memref<16x16xf32, #tpu.memory_space<vmem>>
    %dma_start3A_55 = arith.constant 0 : i32
    %dma_start3A_56 = tpu.memref_slice %arg2[%add3A_51, %dma_start3A_55] : memref<16384x16xf32, #tpu.memory_space<hbm>> -> memref<16x16xf32, #tpu.memory_space<hbm>>
    %dma_start3A_57 = arith.constant 64 : i32
    %dma_start3A_58 = arith.constant 0 : i32
    %dma_start3A_59 = tpu.memref_slice %arg6[%dma_start3A_57, %dma_start3A_58] : memref<512x16xf32, #tpu.memory_space<vmem>> -> memref<16x16xf32, #tpu.memory_space<vmem>>
    %dma_start3A_60 = arith.constant 0 : i32
    %dma_start3A_61 = tpu.memref_slice %arg2[%add3A_51, %dma_start3A_60] : memref<16384x16xf32, #tpu.memory_space<hbm>> -> memref<16x16xf32, #tpu.memory_space<hbm>>
    tpu.enqueue_dma source(%dma_start3A_61 : memref<16x16xf32, #tpu.memory_space<hbm>>) target(%dma_start3A_59 : memref<16x16xf32, #tpu.memory_space<vmem>>) target_semaphore(%arg10 : memref<!tpu.dma_semaphore, #tpu.memory_space<semaphore_mem>>)
    %add3A_62 = arith.constant 2560 : i32
    %add3A_63 = arith.addi %add3A_62, %mul3A_2 : i32
    %dma_start3A_64 = arith.constant 80 : i32
    %dma_start3A_65 = arith.constant 0 : i32
    %dma_start3A_66 = tpu.memref_slice %arg6[%dma_start3A_64, %dma_start3A_65] : memref<512x16xf32, #tpu.memory_space<vmem>> -> memref<16x16xf32, #tpu.memory_space<vmem>>
    %dma_start3A_67 = arith.constant 0 : i32
    %dma_start3A_68 = tpu.memref_slice %arg2[%add3A_63, %dma_start3A_67] : memref<16384x16xf32, #tpu.memory_space<hbm>> -> memref<16x16xf32, #tpu.memory_space<hbm>>
    %dma_start3A_69 = arith.constant 80 : i32
    %dma_start3A_70 = arith.constant 0 : i32
    %dma_start3A_71 = tpu.memref_slice %arg6[%dma_start3A_69, %dma_start3A_70] : memref<512x16xf32, #tpu.memory_space<vmem>> -> memref<16x16xf32, #tpu.memory_space<vmem>>
    %dma_start3A_72 = arith.constant 0 : i32
    %dma_start3A_73 = tpu.memref_slice %arg2[%add3A_63, %dma_start3A_72] : memref<16384x16xf32, #tpu.memory_space<hbm>> -> memref<16x16xf32, #tpu.memory_space<hbm>>
    tpu.enqueue_dma source(%dma_start3A_73 : memref<16x16xf32, #tpu.memory_space<hbm>>) target(%dma_start3A_71 : memref<16x16xf32, #tpu.memory_space<vmem>>) target_semaphore(%arg10 : memref<!tpu.dma_semaphore, #tpu.memory_space<semaphore_mem>>)
    %add3A_74 = arith.constant 3072 : i32
    %add3A_75 = arith.addi %add3A_74, %mul3A_2 : i32
    %dma_start3A_76 = arith.constant 96 : i32
    %dma_start3A_77 = arith.constant 0 : i32
    %dma_start3A_78 = tpu.memref_slice %arg6[%dma_start3A_76, %dma_start3A_77] : memref<512x16xf32, #tpu.memory_space<vmem>> -> memref<16x16xf32, #tpu.memory_space<vmem>>
    %dma_start3A_79 = arith.constant 0 : i32
    %dma_start3A_80 = tpu.memref_slice %arg2[%add3A_75, %dma_start3A_79] : memref<16384x16xf32, #tpu.memory_space<hbm>> -> memref<16x16xf32, #tpu.memory_space<hbm>>
    %dma_start3A_81 = arith.constant 96 : i32
    %dma_start3A_82 = arith.constant 0 : i32
    %dma_start3A_83 = tpu.memref_slice %arg6[%dma_start3A_81, %dma_start3A_82] : memref<512x16xf32, #tpu.memory_space<vmem>> -> memref<16x16xf32, #tpu.memory_space<vmem>>
    %dma_start3A_84 = arith.constant 0 : i32
    %dma_start3A_85 = tpu.memref_slice %arg2[%add3A_75, %dma_start3A_84] : memref<16384x16xf32, #tpu.memory_space<hbm>> -> memref<16x16xf32, #tpu.memory_space<hbm>>
    tpu.enqueue_dma source(%dma_start3A_85 : memref<16x16xf32, #tpu.memory_space<hbm>>) target(%dma_start3A_83 : memref<16x16xf32, #tpu.memory_space<vmem>>) target_semaphore(%arg10 : memref<!tpu.dma_semaphore, #tpu.memory_space<semaphore_mem>>)
    %add3A_86 = arith.constant 3584 : i32
    %add3A_87 = arith.addi %add3A_86, %mul3A_2 : i32
    %dma_start3A_88 = arith.constant 112 : i32
    %dma_start3A_89 = arith.constant 0 : i32
    %dma_start3A_90 = tpu.memref_slice %arg6[%dma_start3A_88, %dma_start3A_89] : memref<512x16xf32, #tpu.memory_space<vmem>> -> memref<16x16xf32, #tpu.memory_space<vmem>>
    %dma_start3A_91 = arith.constant 0 : i32
    %dma_start3A_92 = tpu.memref_slice %arg2[%add3A_87, %dma_start3A_91] : memref<16384x16xf32, #tpu.memory_space<hbm>> -> memref<16x16xf32, #tpu.memory_space<hbm>>
    %dma_start3A_93 = arith.constant 112 : i32
    %dma_start3A_94 = arith.constant 0 : i32
    %dma_start3A_95 = tpu.memref_slice %arg6[%dma_start3A_93, %dma_start3A_94] : memref<512x16xf32, #tpu.memory_space<vmem>> -> memref<16x16xf32, #tpu.memory_space<vmem>>
    %dma_start3A_96 = arith.constant 0 : i32
    %dma_start3A_97 = tpu.memref_slice %arg2[%add3A_87, %dma_start3A_96] : memref<16384x16xf32, #tpu.memory_space<hbm>> -> memref<16x16xf32, #tpu.memory_space<hbm>>
    tpu.enqueue_dma source(%dma_start3A_97 : memref<16x16xf32, #tpu.memory_space<hbm>>) target(%dma_start3A_95 : memref<16x16xf32, #tpu.memory_space<vmem>>) target_semaphore(%arg10 : memref<!tpu.dma_semaphore, #tpu.memory_space<semaphore_mem>>)
    %add3A_98 = arith.constant 4096 : i32
    %add3A_99 = arith.addi %add3A_98, %mul3A_2 : i32
    %dma_start3A_100 = arith.constant 128 : i32
    %dma_start3A_101 = arith.constant 0 : i32
    %dma_start3A_102 = tpu.memref_slice %arg6[%dma_start3A_100, %dma_start3A_101] : memref<512x16xf32, #tpu.memory_space<vmem>> -> memref<16x16xf32, #tpu.memory_space<vmem>>
    %dma_start3A_103 = arith.constant 0 : i32
    %dma_start3A_104 = tpu.memref_slice %arg2[%add3A_99, %dma_start3A_103] : memref<16384x16xf32, #tpu.memory_space<hbm>> -> memref<16x16xf32, #tpu.memory_space<hbm>>
    %dma_start3A_105 = arith.constant 128 : i32
    %dma_start3A_106 = arith.constant 0 : i32
    %dma_start3A_107 = tpu.memref_slice %arg6[%dma_start3A_105, %dma_start3A_106] : memref<512x16xf32, #tpu.memory_space<vmem>> -> memref<16x16xf32, #tpu.memory_space<vmem>>
    %dma_start3A_108 = arith.constant 0 : i32
    %dma_start3A_109 = tpu.memref_slice %arg2[%add3A_99, %dma_start3A_108] : memref<16384x16xf32, #tpu.memory_space<hbm>> -> memref<16x16xf32, #tpu.memory_space<hbm>>
    tpu.enqueue_dma source(%dma_start3A_109 : memref<16x16xf32, #tpu.memory_space<hbm>>) target(%dma_start3A_107 : memref<16x16xf32, #tpu.memory_space<vmem>>) target_semaphore(%arg10 : memref<!tpu.dma_semaphore, #tpu.memory_space<semaphore_mem>>)
    %add3A_110 = arith.constant 4608 : i32
    %add3A_111 = arith.addi %add3A_110, %mul3A_2 : i32
    %dma_start3A_112 = arith.constant 144 : i32
    %dma_start3A_113 = arith.constant 0 : i32
    %dma_start3A_114 = tpu.memref_slice %arg6[%dma_start3A_112, %dma_start3A_113] : memref<512x16xf32, #tpu.memory_space<vmem>> -> memref<16x16xf32, #tpu.memory_space<vmem>>
    %dma_start3A_115 = arith.constant 0 : i32
    %dma_start3A_116 = tpu.memref_slice %arg2[%add3A_111, %dma_start3A_115] : memref<16384x16xf32, #tpu.memory_space<hbm>> -> memref<16x16xf32, #tpu.memory_space<hbm>>
    %dma_start3A_117 = arith.constant 144 : i32
    %dma_start3A_118 = arith.constant 0 : i32
    %dma_start3A_119 = tpu.memref_slice %arg6[%dma_start3A_117, %dma_start3A_118] : memref<512x16xf32, #tpu.memory_space<vmem>> -> memref<16x16xf32, #tpu.memory_space<vmem>>
    %dma_start3A_120 = arith.constant 0 : i32
    %dma_start3A_121 = tpu.memref_slice %arg2[%add3A_111, %dma_start3A_120] : memref<16384x16xf32, #tpu.memory_space<hbm>> -> memref<16x16xf32, #tpu.memory_space<hbm>>
    tpu.enqueue_dma source(%dma_start3A_121 : memref<16x16xf32, #tpu.memory_space<hbm>>) target(%dma_start3A_119 : memref<16x16xf32, #tpu.memory_space<vmem>>) target_semaphore(%arg10 : memref<!tpu.dma_semaphore, #tpu.memory_space<semaphore_mem>>)
    %add3A_122 = arith.constant 5120 : i32
    %add3A_123 = arith.addi %add3A_122, %mul3A_2 : i32
    %dma_start3A_124 = arith.constant 160 : i32
    %dma_start3A_125 = arith.constant 0 : i32
    %dma_start3A_126 = tpu.memref_slice %arg6[%dma_start3A_124, %dma_start3A_125] : memref<512x16xf32, #tpu.memory_space<vmem>> -> memref<16x16xf32, #tpu.memory_space<vmem>>
    %dma_start3A_127 = arith.constant 0 : i32
    %dma_start3A_128 = tpu.memref_slice %arg2[%add3A_123, %dma_start3A_127] : memref<16384x16xf32, #tpu.memory_space<hbm>> -> memref<16x16xf32, #tpu.memory_space<hbm>>
    %dma_start3A_129 = arith.constant 160 : i32
    %dma_start3A_130 = arith.constant 0 : i32
    %dma_start3A_131 = tpu.memref_slice %arg6[%dma_start3A_129, %dma_start3A_130] : memref<512x16xf32, #tpu.memory_space<vmem>> -> memref<16x16xf32, #tpu.memory_space<vmem>>
    %dma_start3A_132 = arith.constant 0 : i32
    %dma_start3A_133 = tpu.memref_slice %arg2[%add3A_123, %dma_start3A_132] : memref<16384x16xf32, #tpu.memory_space<hbm>> -> memref<16x16xf32, #tpu.memory_space<hbm>>
    tpu.enqueue_dma source(%dma_start3A_133 : memref<16x16xf32, #tpu.memory_space<hbm>>) target(%dma_start3A_131 : memref<16x16xf32, #tpu.memory_space<vmem>>) target_semaphore(%arg10 : memref<!tpu.dma_semaphore, #tpu.memory_space<semaphore_mem>>)
    %add3A_134 = arith.constant 5632 : i32
    %add3A_135 = arith.addi %add3A_134, %mul3A_2 : i32
    %dma_start3A_136 = arith.constant 176 : i32
    %dma_start3A_137 = arith.constant 0 : i32
    %dma_start3A_138 = tpu.memref_slice %arg6[%dma_start3A_136, %dma_start3A_137] : memref<512x16xf32, #tpu.memory_space<vmem>> -> memref<16x16xf32, #tpu.memory_space<vmem>>
    %dma_start3A_139 = arith.constant 0 : i32
    %dma_start3A_140 = tpu.memref_slice %arg2[%add3A_135, %dma_start3A_139] : memref<16384x16xf32, #tpu.memory_space<hbm>> -> memref<16x16xf32, #tpu.memory_space<hbm>>
    %dma_start3A_141 = arith.constant 176 : i32
    %dma_start3A_142 = arith.constant 0 : i32
    %dma_start3A_143 = tpu.memref_slice %arg6[%dma_start3A_141, %dma_start3A_142] : memref<512x16xf32, #tpu.memory_space<vmem>> -> memref<16x16xf32, #tpu.memory_space<vmem>>
    %dma_start3A_144 = arith.constant 0 : i32
    %dma_start3A_145 = tpu.memref_slice %arg2[%add3A_135, %dma_start3A_144] : memref<16384x16xf32, #tpu.memory_space<hbm>> -> memref<16x16xf32, #tpu.memory_space<hbm>>
    tpu.enqueue_dma source(%dma_start3A_145 : memref<16x16xf32, #tpu.memory_space<hbm>>) target(%dma_start3A_143 : memref<16x16xf32, #tpu.memory_space<vmem>>) target_semaphore(%arg10 : memref<!tpu.dma_semaphore, #tpu.memory_space<semaphore_mem>>)
    %add3A_146 = arith.constant 6144 : i32
    %add3A_147 = arith.addi %add3A_146, %mul3A_2 : i32
    %dma_start3A_148 = arith.constant 192 : i32
    %dma_start3A_149 = arith.constant 0 : i32
    %dma_start3A_150 = tpu.memref_slice %arg6[%dma_start3A_148, %dma_start3A_149] : memref<512x16xf32, #tpu.memory_space<vmem>> -> memref<16x16xf32, #tpu.memory_space<vmem>>
    %dma_start3A_151 = arith.constant 0 : i32
    %dma_start3A_152 = tpu.memref_slice %arg2[%add3A_147, %dma_start3A_151] : memref<16384x16xf32, #tpu.memory_space<hbm>> -> memref<16x16xf32, #tpu.memory_space<hbm>>
    %dma_start3A_153 = arith.constant 192 : i32
    %dma_start3A_154 = arith.constant 0 : i32
    %dma_start3A_155 = tpu.memref_slice %arg6[%dma_start3A_153, %dma_start3A_154] : memref<512x16xf32, #tpu.memory_space<vmem>> -> memref<16x16xf32, #tpu.memory_space<vmem>>
    %dma_start3A_156 = arith.constant 0 : i32
    %dma_start3A_157 = tpu.memref_slice %arg2[%add3A_147, %dma_start3A_156] : memref<16384x16xf32, #tpu.memory_space<hbm>> -> memref<16x16xf32, #tpu.memory_space<hbm>>
    tpu.enqueue_dma source(%dma_start3A_157 : memref<16x16xf32, #tpu.memory_space<hbm>>) target(%dma_start3A_155 : memref<16x16xf32, #tpu.memory_space<vmem>>) target_semaphore(%arg10 : memref<!tpu.dma_semaphore, #tpu.memory_space<semaphore_mem>>)
    %add3A_158 = arith.constant 6656 : i32
    %add3A_159 = arith.addi %add3A_158, %mul3A_2 : i32
    %dma_start3A_160 = arith.constant 208 : i32
    %dma_start3A_161 = arith.constant 0 : i32
    %dma_start3A_162 = tpu.memref_slice %arg6[%dma_start3A_160, %dma_start3A_161] : memref<512x16xf32, #tpu.memory_space<vmem>> -> memref<16x16xf32, #tpu.memory_space<vmem>>
    %dma_start3A_163 = arith.constant 0 : i32
    %dma_start3A_164 = tpu.memref_slice %arg2[%add3A_159, %dma_start3A_163] : memref<16384x16xf32, #tpu.memory_space<hbm>> -> memref<16x16xf32, #tpu.memory_space<hbm>>
    %dma_start3A_165 = arith.constant 208 : i32
    %dma_start3A_166 = arith.constant 0 : i32
    %dma_start3A_167 = tpu.memref_slice %arg6[%dma_start3A_165, %dma_start3A_166] : memref<512x16xf32, #tpu.memory_space<vmem>> -> memref<16x16xf32, #tpu.memory_space<vmem>>
    %dma_start3A_168 = arith.constant 0 : i32
    %dma_start3A_169 = tpu.memref_slice %arg2[%add3A_159, %dma_start3A_168] : memref<16384x16xf32, #tpu.memory_space<hbm>> -> memref<16x16xf32, #tpu.memory_space<hbm>>
    tpu.enqueue_dma source(%dma_start3A_169 : memref<16x16xf32, #tpu.memory_space<hbm>>) target(%dma_start3A_167 : memref<16x16xf32, #tpu.memory_space<vmem>>) target_semaphore(%arg10 : memref<!tpu.dma_semaphore, #tpu.memory_space<semaphore_mem>>)
    %add3A_170 = arith.constant 7168 : i32
    %add3A_171 = arith.addi %add3A_170, %mul3A_2 : i32
    %dma_start3A_172 = arith.constant 224 : i32
    %dma_start3A_173 = arith.constant 0 : i32
    %dma_start3A_174 = tpu.memref_slice %arg6[%dma_start3A_172, %dma_start3A_173] : memref<512x16xf32, #tpu.memory_space<vmem>> -> memref<16x16xf32, #tpu.memory_space<vmem>>
    %dma_start3A_175 = arith.constant 0 : i32
    %dma_start3A_176 = tpu.memref_slice %arg2[%add3A_171, %dma_start3A_175] : memref<16384x16xf32, #tpu.memory_space<hbm>> -> memref<16x16xf32, #tpu.memory_space<hbm>>
    %dma_start3A_177 = arith.constant 224 : i32
    %dma_start3A_178 = arith.constant 0 : i32
    %dma_start3A_179 = tpu.memref_slice %arg6[%dma_start3A_177, %dma_start3A_178] : memref<512x16xf32, #tpu.memory_space<vmem>> -> memref<16x16xf32, #tpu.memory_space<vmem>>
    %dma_start3A_180 = arith.constant 0 : i32
    %dma_start3A_181 = tpu.memref_slice %arg2[%add3A_171, %dma_start3A_180] : memref<16384x16xf32, #tpu.memory_space<hbm>> -> memref<16x16xf32, #tpu.memory_space<hbm>>
    tpu.enqueue_dma source(%dma_start3A_181 : memref<16x16xf32, #tpu.memory_space<hbm>>) target(%dma_start3A_179 : memref<16x16xf32, #tpu.memory_space<vmem>>) target_semaphore(%arg10 : memref<!tpu.dma_semaphore, #tpu.memory_space<semaphore_mem>>)
    %add3A_182 = arith.constant 7680 : i32
    %add3A_183 = arith.addi %add3A_182, %mul3A_2 : i32
    %dma_start3A_184 = arith.constant 240 : i32
    %dma_start3A_185 = arith.constant 0 : i32
    %dma_start3A_186 = tpu.memref_slice %arg6[%dma_start3A_184, %dma_start3A_185] : memref<512x16xf32, #tpu.memory_space<vmem>> -> memref<16x16xf32, #tpu.memory_space<vmem>>
    %dma_start3A_187 = arith.constant 0 : i32
    %dma_start3A_188 = tpu.memref_slice %arg2[%add3A_183, %dma_start3A_187] : memref<16384x16xf32, #tpu.memory_space<hbm>> -> memref<16x16xf32, #tpu.memory_space<hbm>>
    %dma_start3A_189 = arith.constant 240 : i32
    %dma_start3A_190 = arith.constant 0 : i32
    %dma_start3A_191 = tpu.memref_slice %arg6[%dma_start3A_189, %dma_start3A_190] : memref<512x16xf32, #tpu.memory_space<vmem>> -> memref<16x16xf32, #tpu.memory_space<vmem>>
    %dma_start3A_192 = arith.constant 0 : i32
    %dma_start3A_193 = tpu.memref_slice %arg2[%add3A_183, %dma_start3A_192] : memref<16384x16xf32, #tpu.memory_space<hbm>> -> memref<16x16xf32, #tpu.memory_space<hbm>>
    tpu.enqueue_dma source(%dma_start3A_193 : memref<16x16xf32, #tpu.memory_space<hbm>>) target(%dma_start3A_191 : memref<16x16xf32, #tpu.memory_space<vmem>>) target_semaphore(%arg10 : memref<!tpu.dma_semaphore, #tpu.memory_space<semaphore_mem>>)
    %add3A_194 = arith.constant 8192 : i32
    %add3A_195 = arith.addi %add3A_194, %mul3A_2 : i32
    %dma_start3A_196 = arith.constant 256 : i32
    %dma_start3A_197 = arith.constant 0 : i32
    %dma_start3A_198 = tpu.memref_slice %arg6[%dma_start3A_196, %dma_start3A_197] : memref<512x16xf32, #tpu.memory_space<vmem>> -> memref<16x16xf32, #tpu.memory_space<vmem>>
    %dma_start3A_199 = arith.constant 0 : i32
    %dma_start3A_200 = tpu.memref_slice %arg2[%add3A_195, %dma_start3A_199] : memref<16384x16xf32, #tpu.memory_space<hbm>> -> memref<16x16xf32, #tpu.memory_space<hbm>>
    %dma_start3A_201 = arith.constant 256 : i32
    %dma_start3A_202 = arith.constant 0 : i32
    %dma_start3A_203 = tpu.memref_slice %arg6[%dma_start3A_201, %dma_start3A_202] : memref<512x16xf32, #tpu.memory_space<vmem>> -> memref<16x16xf32, #tpu.memory_space<vmem>>
    %dma_start3A_204 = arith.constant 0 : i32
    %dma_start3A_205 = tpu.memref_slice %arg2[%add3A_195, %dma_start3A_204] : memref<16384x16xf32, #tpu.memory_space<hbm>> -> memref<16x16xf32, #tpu.memory_space<hbm>>
    tpu.enqueue_dma source(%dma_start3A_205 : memref<16x16xf32, #tpu.memory_space<hbm>>) target(%dma_start3A_203 : memref<16x16xf32, #tpu.memory_space<vmem>>) target_semaphore(%arg10 : memref<!tpu.dma_semaphore, #tpu.memory_space<semaphore_mem>>)
    %add3A_206 = arith.constant 8704 : i32
    %add3A_207 = arith.addi %add3A_206, %mul3A_2 : i32
    %dma_start3A_208 = arith.constant 272 : i32
    %dma_start3A_209 = arith.constant 0 : i32
    %dma_start3A_210 = tpu.memref_slice %arg6[%dma_start3A_208, %dma_start3A_209] : memref<512x16xf32, #tpu.memory_space<vmem>> -> memref<16x16xf32, #tpu.memory_space<vmem>>
    %dma_start3A_211 = arith.constant 0 : i32
    %dma_start3A_212 = tpu.memref_slice %arg2[%add3A_207, %dma_start3A_211] : memref<16384x16xf32, #tpu.memory_space<hbm>> -> memref<16x16xf32, #tpu.memory_space<hbm>>
    %dma_start3A_213 = arith.constant 272 : i32
    %dma_start3A_214 = arith.constant 0 : i32
    %dma_start3A_215 = tpu.memref_slice %arg6[%dma_start3A_213, %dma_start3A_214] : memref<512x16xf32, #tpu.memory_space<vmem>> -> memref<16x16xf32, #tpu.memory_space<vmem>>
    %dma_start3A_216 = arith.constant 0 : i32
    %dma_start3A_217 = tpu.memref_slice %arg2[%add3A_207, %dma_start3A_216] : memref<16384x16xf32, #tpu.memory_space<hbm>> -> memref<16x16xf32, #tpu.memory_space<hbm>>
    tpu.enqueue_dma source(%dma_start3A_217 : memref<16x16xf32, #tpu.memory_space<hbm>>) target(%dma_start3A_215 : memref<16x16xf32, #tpu.memory_space<vmem>>) target_semaphore(%arg10 : memref<!tpu.dma_semaphore, #tpu.memory_space<semaphore_mem>>)
    %add3A_218 = arith.constant 9216 : i32
    %add3A_219 = arith.addi %add3A_218, %mul3A_2 : i32
    %dma_start3A_220 = arith.constant 288 : i32
    %dma_start3A_221 = arith.constant 0 : i32
    %dma_start3A_222 = tpu.memref_slice %arg6[%dma_start3A_220, %dma_start3A_221] : memref<512x16xf32, #tpu.memory_space<vmem>> -> memref<16x16xf32, #tpu.memory_space<vmem>>
    %dma_start3A_223 = arith.constant 0 : i32
    %dma_start3A_224 = tpu.memref_slice %arg2[%add3A_219, %dma_start3A_223] : memref<16384x16xf32, #tpu.memory_space<hbm>> -> memref<16x16xf32, #tpu.memory_space<hbm>>
    %dma_start3A_225 = arith.constant 288 : i32
    %dma_start3A_226 = arith.constant 0 : i32
    %dma_start3A_227 = tpu.memref_slice %arg6[%dma_start3A_225, %dma_start3A_226] : memref<512x16xf32, #tpu.memory_space<vmem>> -> memref<16x16xf32, #tpu.memory_space<vmem>>
    %dma_start3A_228 = arith.constant 0 : i32
    %dma_start3A_229 = tpu.memref_slice %arg2[%add3A_219, %dma_start3A_228] : memref<16384x16xf32, #tpu.memory_space<hbm>> -> memref<16x16xf32, #tpu.memory_space<hbm>>
    tpu.enqueue_dma source(%dma_start3A_229 : memref<16x16xf32, #tpu.memory_space<hbm>>) target(%dma_start3A_227 : memref<16x16xf32, #tpu.memory_space<vmem>>) target_semaphore(%arg10 : memref<!tpu.dma_semaphore, #tpu.memory_space<semaphore_mem>>)
    %add3A_230 = arith.constant 9728 : i32
    %add3A_231 = arith.addi %add3A_230, %mul3A_2 : i32
    %dma_start3A_232 = arith.constant 304 : i32
    %dma_start3A_233 = arith.constant 0 : i32
    %dma_start3A_234 = tpu.memref_slice %arg6[%dma_start3A_232, %dma_start3A_233] : memref<512x16xf32, #tpu.memory_space<vmem>> -> memref<16x16xf32, #tpu.memory_space<vmem>>
    %dma_start3A_235 = arith.constant 0 : i32
    %dma_start3A_236 = tpu.memref_slice %arg2[%add3A_231, %dma_start3A_235] : memref<16384x16xf32, #tpu.memory_space<hbm>> -> memref<16x16xf32, #tpu.memory_space<hbm>>
    %dma_start3A_237 = arith.constant 304 : i32
    %dma_start3A_238 = arith.constant 0 : i32
    %dma_start3A_239 = tpu.memref_slice %arg6[%dma_start3A_237, %dma_start3A_238] : memref<512x16xf32, #tpu.memory_space<vmem>> -> memref<16x16xf32, #tpu.memory_space<vmem>>
    %dma_start3A_240 = arith.constant 0 : i32
    %dma_start3A_241 = tpu.memref_slice %arg2[%add3A_231, %dma_start3A_240] : memref<16384x16xf32, #tpu.memory_space<hbm>> -> memref<16x16xf32, #tpu.memory_space<hbm>>
    tpu.enqueue_dma source(%dma_start3A_241 : memref<16x16xf32, #tpu.memory_space<hbm>>) target(%dma_start3A_239 : memref<16x16xf32, #tpu.memory_space<vmem>>) target_semaphore(%arg10 : memref<!tpu.dma_semaphore, #tpu.memory_space<semaphore_mem>>)
    %add3A_242 = arith.constant 10240 : i32
    %add3A_243 = arith.addi %add3A_242, %mul3A_2 : i32
    %dma_start3A_244 = arith.constant 320 : i32
    %dma_start3A_245 = arith.constant 0 : i32
    %dma_start3A_246 = tpu.memref_slice %arg6[%dma_start3A_244, %dma_start3A_245] : memref<512x16xf32, #tpu.memory_space<vmem>> -> memref<16x16xf32, #tpu.memory_space<vmem>>
    %dma_start3A_247 = arith.constant 0 : i32
    %dma_start3A_248 = tpu.memref_slice %arg2[%add3A_243, %dma_start3A_247] : memref<16384x16xf32, #tpu.memory_space<hbm>> -> memref<16x16xf32, #tpu.memory_space<hbm>>
    %dma_start3A_249 = arith.constant 320 : i32
    %dma_start3A_250 = arith.constant 0 : i32
    %dma_start3A_251 = tpu.memref_slice %arg6[%dma_start3A_249, %dma_start3A_250] : memref<512x16xf32, #tpu.memory_space<vmem>> -> memref<16x16xf32, #tpu.memory_space<vmem>>
    %dma_start3A_252 = arith.constant 0 : i32
    %dma_start3A_253 = tpu.memref_slice %arg2[%add3A_243, %dma_start3A_252] : memref<16384x16xf32, #tpu.memory_space<hbm>> -> memref<16x16xf32, #tpu.memory_space<hbm>>
    tpu.enqueue_dma source(%dma_start3A_253 : memref<16x16xf32, #tpu.memory_space<hbm>>) target(%dma_start3A_251 : memref<16x16xf32, #tpu.memory_space<vmem>>) target_semaphore(%arg10 : memref<!tpu.dma_semaphore, #tpu.memory_space<semaphore_mem>>)
    %add3A_254 = arith.constant 10752 : i32
    %add3A_255 = arith.addi %add3A_254, %mul3A_2 : i32
    %dma_start3A_256 = arith.constant 336 : i32
    %dma_start3A_257 = arith.constant 0 : i32
    %dma_start3A_258 = tpu.memref_slice %arg6[%dma_start3A_256, %dma_start3A_257] : memref<512x16xf32, #tpu.memory_space<vmem>> -> memref<16x16xf32, #tpu.memory_space<vmem>>
    %dma_start3A_259 = arith.constant 0 : i32
    %dma_start3A_260 = tpu.memref_slice %arg2[%add3A_255, %dma_start3A_259] : memref<16384x16xf32, #tpu.memory_space<hbm>> -> memref<16x16xf32, #tpu.memory_space<hbm>>
    %dma_start3A_261 = arith.constant 336 : i32
    %dma_start3A_262 = arith.constant 0 : i32
    %dma_start3A_263 = tpu.memref_slice %arg6[%dma_start3A_261, %dma_start3A_262] : memref<512x16xf32, #tpu.memory_space<vmem>> -> memref<16x16xf32, #tpu.memory_space<vmem>>
    %dma_start3A_264 = arith.constant 0 : i32
    %dma_start3A_265 = tpu.memref_slice %arg2[%add3A_255, %dma_start3A_264] : memref<16384x16xf32, #tpu.memory_space<hbm>> -> memref<16x16xf32, #tpu.memory_space<hbm>>
    tpu.enqueue_dma source(%dma_start3A_265 : memref<16x16xf32, #tpu.memory_space<hbm>>) target(%dma_start3A_263 : memref<16x16xf32, #tpu.memory_space<vmem>>) target_semaphore(%arg10 : memref<!tpu.dma_semaphore, #tpu.memory_space<semaphore_mem>>)
    %add3A_266 = arith.constant 11264 : i32
    %add3A_267 = arith.addi %add3A_266, %mul3A_2 : i32
    %dma_start3A_268 = arith.constant 352 : i32
    %dma_start3A_269 = arith.constant 0 : i32
    %dma_start3A_270 = tpu.memref_slice %arg6[%dma_start3A_268, %dma_start3A_269] : memref<512x16xf32, #tpu.memory_space<vmem>> -> memref<16x16xf32, #tpu.memory_space<vmem>>
    %dma_start3A_271 = arith.constant 0 : i32
    %dma_start3A_272 = tpu.memref_slice %arg2[%add3A_267, %dma_start3A_271] : memref<16384x16xf32, #tpu.memory_space<hbm>> -> memref<16x16xf32, #tpu.memory_space<hbm>>
    %dma_start3A_273 = arith.constant 352 : i32
    %dma_start3A_274 = arith.constant 0 : i32
    %dma_start3A_275 = tpu.memref_slice %arg6[%dma_start3A_273, %dma_start3A_274] : memref<512x16xf32, #tpu.memory_space<vmem>> -> memref<16x16xf32, #tpu.memory_space<vmem>>
    %dma_start3A_276 = arith.constant 0 : i32
    %dma_start3A_277 = tpu.memref_slice %arg2[%add3A_267, %dma_start3A_276] : memref<16384x16xf32, #tpu.memory_space<hbm>> -> memref<16x16xf32, #tpu.memory_space<hbm>>
    tpu.enqueue_dma source(%dma_start3A_277 : memref<16x16xf32, #tpu.memory_space<hbm>>) target(%dma_start3A_275 : memref<16x16xf32, #tpu.memory_space<vmem>>) target_semaphore(%arg10 : memref<!tpu.dma_semaphore, #tpu.memory_space<semaphore_mem>>)
    %add3A_278 = arith.constant 11776 : i32
    %add3A_279 = arith.addi %add3A_278, %mul3A_2 : i32
    %dma_start3A_280 = arith.constant 368 : i32
    %dma_start3A_281 = arith.constant 0 : i32
    %dma_start3A_282 = tpu.memref_slice %arg6[%dma_start3A_280, %dma_start3A_281] : memref<512x16xf32, #tpu.memory_space<vmem>> -> memref<16x16xf32, #tpu.memory_space<vmem>>
    %dma_start3A_283 = arith.constant 0 : i32
    %dma_start3A_284 = tpu.memref_slice %arg2[%add3A_279, %dma_start3A_283] : memref<16384x16xf32, #tpu.memory_space<hbm>> -> memref<16x16xf32, #tpu.memory_space<hbm>>
    %dma_start3A_285 = arith.constant 368 : i32
    %dma_start3A_286 = arith.constant 0 : i32
    %dma_start3A_287 = tpu.memref_slice %arg6[%dma_start3A_285, %dma_start3A_286] : memref<512x16xf32, #tpu.memory_space<vmem>> -> memref<16x16xf32, #tpu.memory_space<vmem>>
    %dma_start3A_288 = arith.constant 0 : i32
    %dma_start3A_289 = tpu.memref_slice %arg2[%add3A_279, %dma_start3A_288] : memref<16384x16xf32, #tpu.memory_space<hbm>> -> memref<16x16xf32, #tpu.memory_space<hbm>>
    tpu.enqueue_dma source(%dma_start3A_289 : memref<16x16xf32, #tpu.memory_space<hbm>>) target(%dma_start3A_287 : memref<16x16xf32, #tpu.memory_space<vmem>>) target_semaphore(%arg10 : memref<!tpu.dma_semaphore, #tpu.memory_space<semaphore_mem>>)
    %add3A_290 = arith.constant 12288 : i32
    %add3A_291 = arith.addi %add3A_290, %mul3A_2 : i32
    %dma_start3A_292 = arith.constant 384 : i32
    %dma_start3A_293 = arith.constant 0 : i32
    %dma_start3A_294 = tpu.memref_slice %arg6[%dma_start3A_292, %dma_start3A_293] : memref<512x16xf32, #tpu.memory_space<vmem>> -> memref<16x16xf32, #tpu.memory_space<vmem>>
    %dma_start3A_295 = arith.constant 0 : i32
    %dma_start3A_296 = tpu.memref_slice %arg2[%add3A_291, %dma_start3A_295] : memref<16384x16xf32, #tpu.memory_space<hbm>> -> memref<16x16xf32, #tpu.memory_space<hbm>>
    %dma_start3A_297 = arith.constant 384 : i32
    %dma_start3A_298 = arith.constant 0 : i32
    %dma_start3A_299 = tpu.memref_slice %arg6[%dma_start3A_297, %dma_start3A_298] : memref<512x16xf32, #tpu.memory_space<vmem>> -> memref<16x16xf32, #tpu.memory_space<vmem>>
    %dma_start3A_300 = arith.constant 0 : i32
    %dma_start3A_301 = tpu.memref_slice %arg2[%add3A_291, %dma_start3A_300] : memref<16384x16xf32, #tpu.memory_space<hbm>> -> memref<16x16xf32, #tpu.memory_space<hbm>>
    tpu.enqueue_dma source(%dma_start3A_301 : memref<16x16xf32, #tpu.memory_space<hbm>>) target(%dma_start3A_299 : memref<16x16xf32, #tpu.memory_space<vmem>>) target_semaphore(%arg10 : memref<!tpu.dma_semaphore, #tpu.memory_space<semaphore_mem>>)
    %add3A_302 = arith.constant 12800 : i32
    %add3A_303 = arith.addi %add3A_302, %mul3A_2 : i32
    %dma_start3A_304 = arith.constant 400 : i32
    %dma_start3A_305 = arith.constant 0 : i32
    %dma_start3A_306 = tpu.memref_slice %arg6[%dma_start3A_304, %dma_start3A_305] : memref<512x16xf32, #tpu.memory_space<vmem>> -> memref<16x16xf32, #tpu.memory_space<vmem>>
    %dma_start3A_307 = arith.constant 0 : i32
    %dma_start3A_308 = tpu.memref_slice %arg2[%add3A_303, %dma_start3A_307] : memref<16384x16xf32, #tpu.memory_space<hbm>> -> memref<16x16xf32, #tpu.memory_space<hbm>>
    %dma_start3A_309 = arith.constant 400 : i32
    %dma_start3A_310 = arith.constant 0 : i32
    %dma_start3A_311 = tpu.memref_slice %arg6[%dma_start3A_309, %dma_start3A_310] : memref<512x16xf32, #tpu.memory_space<vmem>> -> memref<16x16xf32, #tpu.memory_space<vmem>>
    %dma_start3A_312 = arith.constant 0 : i32
    %dma_start3A_313 = tpu.memref_slice %arg2[%add3A_303, %dma_start3A_312] : memref<16384x16xf32, #tpu.memory_space<hbm>> -> memref<16x16xf32, #tpu.memory_space<hbm>>
    tpu.enqueue_dma source(%dma_start3A_313 : memref<16x16xf32, #tpu.memory_space<hbm>>) target(%dma_start3A_311 : memref<16x16xf32, #tpu.memory_space<vmem>>) target_semaphore(%arg10 : memref<!tpu.dma_semaphore, #tpu.memory_space<semaphore_mem>>)
    %add3A_314 = arith.constant 13312 : i32
    %add3A_315 = arith.addi %add3A_314, %mul3A_2 : i32
    %dma_start3A_316 = arith.constant 416 : i32
    %dma_start3A_317 = arith.constant 0 : i32
    %dma_start3A_318 = tpu.memref_slice %arg6[%dma_start3A_316, %dma_start3A_317] : memref<512x16xf32, #tpu.memory_space<vmem>> -> memref<16x16xf32, #tpu.memory_space<vmem>>
    %dma_start3A_319 = arith.constant 0 : i32
    %dma_start3A_320 = tpu.memref_slice %arg2[%add3A_315, %dma_start3A_319] : memref<16384x16xf32, #tpu.memory_space<hbm>> -> memref<16x16xf32, #tpu.memory_space<hbm>>
    %dma_start3A_321 = arith.constant 416 : i32
    %dma_start3A_322 = arith.constant 0 : i32
    %dma_start3A_323 = tpu.memref_slice %arg6[%dma_start3A_321, %dma_start3A_322] : memref<512x16xf32, #tpu.memory_space<vmem>> -> memref<16x16xf32, #tpu.memory_space<vmem>>
    %dma_start3A_324 = arith.constant 0 : i32
    %dma_start3A_325 = tpu.memref_slice %arg2[%add3A_315, %dma_start3A_324] : memref<16384x16xf32, #tpu.memory_space<hbm>> -> memref<16x16xf32, #tpu.memory_space<hbm>>
    tpu.enqueue_dma source(%dma_start3A_325 : memref<16x16xf32, #tpu.memory_space<hbm>>) target(%dma_start3A_323 : memref<16x16xf32, #tpu.memory_space<vmem>>) target_semaphore(%arg10 : memref<!tpu.dma_semaphore, #tpu.memory_space<semaphore_mem>>)
    %add3A_326 = arith.constant 13824 : i32
    %add3A_327 = arith.addi %add3A_326, %mul3A_2 : i32
    %dma_start3A_328 = arith.constant 432 : i32
    %dma_start3A_329 = arith.constant 0 : i32
    %dma_start3A_330 = tpu.memref_slice %arg6[%dma_start3A_328, %dma_start3A_329] : memref<512x16xf32, #tpu.memory_space<vmem>> -> memref<16x16xf32, #tpu.memory_space<vmem>>
    %dma_start3A_331 = arith.constant 0 : i32
    %dma_start3A_332 = tpu.memref_slice %arg2[%add3A_327, %dma_start3A_331] : memref<16384x16xf32, #tpu.memory_space<hbm>> -> memref<16x16xf32, #tpu.memory_space<hbm>>
    %dma_start3A_333 = arith.constant 432 : i32
    %dma_start3A_334 = arith.constant 0 : i32
    %dma_start3A_335 = tpu.memref_slice %arg6[%dma_start3A_333, %dma_start3A_334] : memref<512x16xf32, #tpu.memory_space<vmem>> -> memref<16x16xf32, #tpu.memory_space<vmem>>
    %dma_start3A_336 = arith.constant 0 : i32
    %dma_start3A_337 = tpu.memref_slice %arg2[%add3A_327, %dma_start3A_336] : memref<16384x16xf32, #tpu.memory_space<hbm>> -> memref<16x16xf32, #tpu.memory_space<hbm>>
    tpu.enqueue_dma source(%dma_start3A_337 : memref<16x16xf32, #tpu.memory_space<hbm>>) target(%dma_start3A_335 : memref<16x16xf32, #tpu.memory_space<vmem>>) target_semaphore(%arg10 : memref<!tpu.dma_semaphore, #tpu.memory_space<semaphore_mem>>)
    %add3A_338 = arith.constant 14336 : i32
    %add3A_339 = arith.addi %add3A_338, %mul3A_2 : i32
    %dma_start3A_340 = arith.constant 448 : i32
    %dma_start3A_341 = arith.constant 0 : i32
    %dma_start3A_342 = tpu.memref_slice %arg6[%dma_start3A_340, %dma_start3A_341] : memref<512x16xf32, #tpu.memory_space<vmem>> -> memref<16x16xf32, #tpu.memory_space<vmem>>
    %dma_start3A_343 = arith.constant 0 : i32
    %dma_start3A_344 = tpu.memref_slice %arg2[%add3A_339, %dma_start3A_343] : memref<16384x16xf32, #tpu.memory_space<hbm>> -> memref<16x16xf32, #tpu.memory_space<hbm>>
    %dma_start3A_345 = arith.constant 448 : i32
    %dma_start3A_346 = arith.constant 0 : i32
    %dma_start3A_347 = tpu.memref_slice %arg6[%dma_start3A_345, %dma_start3A_346] : memref<512x16xf32, #tpu.memory_space<vmem>> -> memref<16x16xf32, #tpu.memory_space<vmem>>
    %dma_start3A_348 = arith.constant 0 : i32
    %dma_start3A_349 = tpu.memref_slice %arg2[%add3A_339, %dma_start3A_348] : memref<16384x16xf32, #tpu.memory_space<hbm>> -> memref<16x16xf32, #tpu.memory_space<hbm>>
    tpu.enqueue_dma source(%dma_start3A_349 : memref<16x16xf32, #tpu.memory_space<hbm>>) target(%dma_start3A_347 : memref<16x16xf32, #tpu.memory_space<vmem>>) target_semaphore(%arg10 : memref<!tpu.dma_semaphore, #tpu.memory_space<semaphore_mem>>)
    %add3A_350 = arith.constant 14848 : i32
    %add3A_351 = arith.addi %add3A_350, %mul3A_2 : i32
    %dma_start3A_352 = arith.constant 464 : i32
    %dma_start3A_353 = arith.constant 0 : i32
    %dma_start3A_354 = tpu.memref_slice %arg6[%dma_start3A_352, %dma_start3A_353] : memref<512x16xf32, #tpu.memory_space<vmem>> -> memref<16x16xf32, #tpu.memory_space<vmem>>
    %dma_start3A_355 = arith.constant 0 : i32
    %dma_start3A_356 = tpu.memref_slice %arg2[%add3A_351, %dma_start3A_355] : memref<16384x16xf32, #tpu.memory_space<hbm>> -> memref<16x16xf32, #tpu.memory_space<hbm>>
    %dma_start3A_357 = arith.constant 464 : i32
    %dma_start3A_358 = arith.constant 0 : i32
    %dma_start3A_359 = tpu.memref_slice %arg6[%dma_start3A_357, %dma_start3A_358] : memref<512x16xf32, #tpu.memory_space<vmem>> -> memref<16x16xf32, #tpu.memory_space<vmem>>
    %dma_start3A_360 = arith.constant 0 : i32
    %dma_start3A_361 = tpu.memref_slice %arg2[%add3A_351, %dma_start3A_360] : memref<16384x16xf32, #tpu.memory_space<hbm>> -> memref<16x16xf32, #tpu.memory_space<hbm>>
    tpu.enqueue_dma source(%dma_start3A_361 : memref<16x16xf32, #tpu.memory_space<hbm>>) target(%dma_start3A_359 : memref<16x16xf32, #tpu.memory_space<vmem>>) target_semaphore(%arg10 : memref<!tpu.dma_semaphore, #tpu.memory_space<semaphore_mem>>)
    %add3A_362 = arith.constant 15360 : i32
    %add3A_363 = arith.addi %add3A_362, %mul3A_2 : i32
    %dma_start3A_364 = arith.constant 480 : i32
    %dma_start3A_365 = arith.constant 0 : i32
    %dma_start3A_366 = tpu.memref_slice %arg6[%dma_start3A_364, %dma_start3A_365] : memref<512x16xf32, #tpu.memory_space<vmem>> -> memref<16x16xf32, #tpu.memory_space<vmem>>
    %dma_start3A_367 = arith.constant 0 : i32
    %dma_start3A_368 = tpu.memref_slice %arg2[%add3A_363, %dma_start3A_367] : memref<16384x16xf32, #tpu.memory_space<hbm>> -> memref<16x16xf32, #tpu.memory_space<hbm>>
    %dma_start3A_369 = arith.constant 480 : i32
    %dma_start3A_370 = arith.constant 0 : i32
    %dma_start3A_371 = tpu.memref_slice %arg6[%dma_start3A_369, %dma_start3A_370] : memref<512x16xf32, #tpu.memory_space<vmem>> -> memref<16x16xf32, #tpu.memory_space<vmem>>
    %dma_start3A_372 = arith.constant 0 : i32
    %dma_start3A_373 = tpu.memref_slice %arg2[%add3A_363, %dma_start3A_372] : memref<16384x16xf32, #tpu.memory_space<hbm>> -> memref<16x16xf32, #tpu.memory_space<hbm>>
    tpu.enqueue_dma source(%dma_start3A_373 : memref<16x16xf32, #tpu.memory_space<hbm>>) target(%dma_start3A_371 : memref<16x16xf32, #tpu.memory_space<vmem>>) target_semaphore(%arg10 : memref<!tpu.dma_semaphore, #tpu.memory_space<semaphore_mem>>)
    %add3A_374 = arith.constant 15872 : i32
    %add3A_375 = arith.addi %add3A_374, %mul3A_2 : i32
    %dma_start3A_376 = arith.constant 496 : i32
    %dma_start3A_377 = arith.constant 0 : i32
    %dma_start3A_378 = tpu.memref_slice %arg6[%dma_start3A_376, %dma_start3A_377] : memref<512x16xf32, #tpu.memory_space<vmem>> -> memref<16x16xf32, #tpu.memory_space<vmem>>
    %dma_start3A_379 = arith.constant 0 : i32
    %dma_start3A_380 = tpu.memref_slice %arg2[%add3A_375, %dma_start3A_379] : memref<16384x16xf32, #tpu.memory_space<hbm>> -> memref<16x16xf32, #tpu.memory_space<hbm>>
    %dma_start3A_381 = arith.constant 496 : i32
    %dma_start3A_382 = arith.constant 0 : i32
    %dma_start3A_383 = tpu.memref_slice %arg6[%dma_start3A_381, %dma_start3A_382] : memref<512x16xf32, #tpu.memory_space<vmem>> -> memref<16x16xf32, #tpu.memory_space<vmem>>
    %dma_start3A_384 = arith.constant 0 : i32
    %dma_start3A_385 = tpu.memref_slice %arg2[%add3A_375, %dma_start3A_384] : memref<16384x16xf32, #tpu.memory_space<hbm>> -> memref<16x16xf32, #tpu.memory_space<hbm>>
    tpu.enqueue_dma source(%dma_start3A_385 : memref<16x16xf32, #tpu.memory_space<hbm>>) target(%dma_start3A_383 : memref<16x16xf32, #tpu.memory_space<vmem>>) target_semaphore(%arg10 : memref<!tpu.dma_semaphore, #tpu.memory_space<semaphore_mem>>)
    %mul3A_386 = arith.constant 256 : i32
    %mul3A_387 = arith.muli %add3A, %mul3A_386 : i32
    %dma_start3A_388 = tpu.memref_slice %arg4[%mul3A_387] : memref<8192xi32, #tpu.memory_space<hbm>> -> memref<256xi32, #tpu.memory_space<hbm>>
    %dma_start3A_389 = tpu.memref_slice %arg4[%mul3A_387] : memref<8192xi32, #tpu.memory_space<hbm>> -> memref<256xi32, #tpu.memory_space<hbm>>
    tpu.enqueue_dma source(%dma_start3A_389 : memref<256xi32, #tpu.memory_space<hbm>>) target(%arg8 : memref<256xi32, #tpu.memory_space<vmem>>) target_semaphore(%arg10 : memref<!tpu.dma_semaphore, #tpu.memory_space<semaphore_mem>>)
    tpu.enqueue_dma source(%arg3 : memref<16xf32, #tpu.memory_space<hbm>>) target(%arg9 : memref<16xf32, #tpu.memory_space<vmem>>) target_semaphore(%arg10 : memref<!tpu.dma_semaphore, #tpu.memory_space<semaphore_mem>>)
    %dma_wait3A = arith.constant 0 : i32
    %dma_wait3A_390 = arith.constant 0 : i32
    %dma_wait3A_391 = tpu.memref_slice %arg6[%dma_wait3A, %dma_wait3A_390] : memref<512x16xf32, #tpu.memory_space<vmem>> -> memref<16x16xf32, #tpu.memory_space<vmem>>
    %dma_wait3A_392 = arith.constant 0 : i32
    %dma_wait3A_393 = tpu.memref_slice %arg2[%add3A_4, %dma_wait3A_392] : memref<16384x16xf32, #tpu.memory_space<hbm>> -> memref<16x16xf32, #tpu.memory_space<hbm>>
    %dma_wait3A_394 = arith.constant 0 : i32
    %dma_wait3A_395 = arith.constant 0 : i32
    %dma_wait3A_396 = tpu.memref_slice %arg6[%dma_wait3A_394, %dma_wait3A_395] : memref<512x16xf32, #tpu.memory_space<vmem>> -> memref<16x16xf32, #tpu.memory_space<vmem>>
    %dma_wait3A_397 = arith.constant 0 : i32
    %dma_wait3A_398 = tpu.memref_slice %arg2[%add3A_4, %dma_wait3A_397] : memref<16384x16xf32, #tpu.memory_space<hbm>> -> memref<16x16xf32, #tpu.memory_space<hbm>>
    tpu.wait_dma2 semaphore(%arg10 : memref<!tpu.dma_semaphore, #tpu.memory_space<semaphore_mem>>) src(%dma_wait3A_398 : memref<16x16xf32, #tpu.memory_space<hbm>>) dst(%dma_wait3A_396 : memref<16x16xf32, #tpu.memory_space<vmem>>)
    %dma_wait3A_399 = arith.constant 16 : i32
    %dma_wait3A_400 = arith.constant 0 : i32
    %dma_wait3A_401 = tpu.memref_slice %arg6[%dma_wait3A_399, %dma_wait3A_400] : memref<512x16xf32, #tpu.memory_space<vmem>> -> memref<16x16xf32, #tpu.memory_space<vmem>>
    %dma_wait3A_402 = arith.constant 0 : i32
    %dma_wait3A_403 = tpu.memref_slice %arg2[%add3A_15, %dma_wait3A_402] : memref<16384x16xf32, #tpu.memory_space<hbm>> -> memref<16x16xf32, #tpu.memory_space<hbm>>
    %dma_wait3A_404 = arith.constant 16 : i32
    %dma_wait3A_405 = arith.constant 0 : i32
    %dma_wait3A_406 = tpu.memref_slice %arg6[%dma_wait3A_404, %dma_wait3A_405] : memref<512x16xf32, #tpu.memory_space<vmem>> -> memref<16x16xf32, #tpu.memory_space<vmem>>
    %dma_wait3A_407 = arith.constant 0 : i32
    %dma_wait3A_408 = tpu.memref_slice %arg2[%add3A_15, %dma_wait3A_407] : memref<16384x16xf32, #tpu.memory_space<hbm>> -> memref<16x16xf32, #tpu.memory_space<hbm>>
    tpu.wait_dma2 semaphore(%arg10 : memref<!tpu.dma_semaphore, #tpu.memory_space<semaphore_mem>>) src(%dma_wait3A_408 : memref<16x16xf32, #tpu.memory_space<hbm>>) dst(%dma_wait3A_406 : memref<16x16xf32, #tpu.memory_space<vmem>>)
    %dma_wait3A_409 = arith.constant 32 : i32
    %dma_wait3A_410 = arith.constant 0 : i32
    %dma_wait3A_411 = tpu.memref_slice %arg6[%dma_wait3A_409, %dma_wait3A_410] : memref<512x16xf32, #tpu.memory_space<vmem>> -> memref<16x16xf32, #tpu.memory_space<vmem>>
    %dma_wait3A_412 = arith.constant 0 : i32
    %dma_wait3A_413 = tpu.memref_slice %arg2[%add3A_27, %dma_wait3A_412] : memref<16384x16xf32, #tpu.memory_space<hbm>> -> memref<16x16xf32, #tpu.memory_space<hbm>>
    %dma_wait3A_414 = arith.constant 32 : i32
    %dma_wait3A_415 = arith.constant 0 : i32
    %dma_wait3A_416 = tpu.memref_slice %arg6[%dma_wait3A_414, %dma_wait3A_415] : memref<512x16xf32, #tpu.memory_space<vmem>> -> memref<16x16xf32, #tpu.memory_space<vmem>>
    %dma_wait3A_417 = arith.constant 0 : i32
    %dma_wait3A_418 = tpu.memref_slice %arg2[%add3A_27, %dma_wait3A_417] : memref<16384x16xf32, #tpu.memory_space<hbm>> -> memref<16x16xf32, #tpu.memory_space<hbm>>
    tpu.wait_dma2 semaphore(%arg10 : memref<!tpu.dma_semaphore, #tpu.memory_space<semaphore_mem>>) src(%dma_wait3A_418 : memref<16x16xf32, #tpu.memory_space<hbm>>) dst(%dma_wait3A_416 : memref<16x16xf32, #tpu.memory_space<vmem>>)
    %dma_wait3A_419 = arith.constant 48 : i32
    %dma_wait3A_420 = arith.constant 0 : i32
    %dma_wait3A_421 = tpu.memref_slice %arg6[%dma_wait3A_419, %dma_wait3A_420] : memref<512x16xf32, #tpu.memory_space<vmem>> -> memref<16x16xf32, #tpu.memory_space<vmem>>
    %dma_wait3A_422 = arith.constant 0 : i32
    %dma_wait3A_423 = tpu.memref_slice %arg2[%add3A_39, %dma_wait3A_422] : memref<16384x16xf32, #tpu.memory_space<hbm>> -> memref<16x16xf32, #tpu.memory_space<hbm>>
    %dma_wait3A_424 = arith.constant 48 : i32
    %dma_wait3A_425 = arith.constant 0 : i32
    %dma_wait3A_426 = tpu.memref_slice %arg6[%dma_wait3A_424, %dma_wait3A_425] : memref<512x16xf32, #tpu.memory_space<vmem>> -> memref<16x16xf32, #tpu.memory_space<vmem>>
    %dma_wait3A_427 = arith.constant 0 : i32
    %dma_wait3A_428 = tpu.memref_slice %arg2[%add3A_39, %dma_wait3A_427] : memref<16384x16xf32, #tpu.memory_space<hbm>> -> memref<16x16xf32, #tpu.memory_space<hbm>>
    tpu.wait_dma2 semaphore(%arg10 : memref<!tpu.dma_semaphore, #tpu.memory_space<semaphore_mem>>) src(%dma_wait3A_428 : memref<16x16xf32, #tpu.memory_space<hbm>>) dst(%dma_wait3A_426 : memref<16x16xf32, #tpu.memory_space<vmem>>)
    %dma_wait3A_429 = arith.constant 64 : i32
    %dma_wait3A_430 = arith.constant 0 : i32
    %dma_wait3A_431 = tpu.memref_slice %arg6[%dma_wait3A_429, %dma_wait3A_430] : memref<512x16xf32, #tpu.memory_space<vmem>> -> memref<16x16xf32, #tpu.memory_space<vmem>>
    %dma_wait3A_432 = arith.constant 0 : i32
    %dma_wait3A_433 = tpu.memref_slice %arg2[%add3A_51, %dma_wait3A_432] : memref<16384x16xf32, #tpu.memory_space<hbm>> -> memref<16x16xf32, #tpu.memory_space<hbm>>
    %dma_wait3A_434 = arith.constant 64 : i32
    %dma_wait3A_435 = arith.constant 0 : i32
    %dma_wait3A_436 = tpu.memref_slice %arg6[%dma_wait3A_434, %dma_wait3A_435] : memref<512x16xf32, #tpu.memory_space<vmem>> -> memref<16x16xf32, #tpu.memory_space<vmem>>
    %dma_wait3A_437 = arith.constant 0 : i32
    %dma_wait3A_438 = tpu.memref_slice %arg2[%add3A_51, %dma_wait3A_437] : memref<16384x16xf32, #tpu.memory_space<hbm>> -> memref<16x16xf32, #tpu.memory_space<hbm>>
    tpu.wait_dma2 semaphore(%arg10 : memref<!tpu.dma_semaphore, #tpu.memory_space<semaphore_mem>>) src(%dma_wait3A_438 : memref<16x16xf32, #tpu.memory_space<hbm>>) dst(%dma_wait3A_436 : memref<16x16xf32, #tpu.memory_space<vmem>>)
    %dma_wait3A_439 = arith.constant 80 : i32
    %dma_wait3A_440 = arith.constant 0 : i32
    %dma_wait3A_441 = tpu.memref_slice %arg6[%dma_wait3A_439, %dma_wait3A_440] : memref<512x16xf32, #tpu.memory_space<vmem>> -> memref<16x16xf32, #tpu.memory_space<vmem>>
    %dma_wait3A_442 = arith.constant 0 : i32
    %dma_wait3A_443 = tpu.memref_slice %arg2[%add3A_63, %dma_wait3A_442] : memref<16384x16xf32, #tpu.memory_space<hbm>> -> memref<16x16xf32, #tpu.memory_space<hbm>>
    %dma_wait3A_444 = arith.constant 80 : i32
    %dma_wait3A_445 = arith.constant 0 : i32
    %dma_wait3A_446 = tpu.memref_slice %arg6[%dma_wait3A_444, %dma_wait3A_445] : memref<512x16xf32, #tpu.memory_space<vmem>> -> memref<16x16xf32, #tpu.memory_space<vmem>>
    %dma_wait3A_447 = arith.constant 0 : i32
    %dma_wait3A_448 = tpu.memref_slice %arg2[%add3A_63, %dma_wait3A_447] : memref<16384x16xf32, #tpu.memory_space<hbm>> -> memref<16x16xf32, #tpu.memory_space<hbm>>
    tpu.wait_dma2 semaphore(%arg10 : memref<!tpu.dma_semaphore, #tpu.memory_space<semaphore_mem>>) src(%dma_wait3A_448 : memref<16x16xf32, #tpu.memory_space<hbm>>) dst(%dma_wait3A_446 : memref<16x16xf32, #tpu.memory_space<vmem>>)
    %dma_wait3A_449 = arith.constant 96 : i32
    %dma_wait3A_450 = arith.constant 0 : i32
    %dma_wait3A_451 = tpu.memref_slice %arg6[%dma_wait3A_449, %dma_wait3A_450] : memref<512x16xf32, #tpu.memory_space<vmem>> -> memref<16x16xf32, #tpu.memory_space<vmem>>
    %dma_wait3A_452 = arith.constant 0 : i32
    %dma_wait3A_453 = tpu.memref_slice %arg2[%add3A_75, %dma_wait3A_452] : memref<16384x16xf32, #tpu.memory_space<hbm>> -> memref<16x16xf32, #tpu.memory_space<hbm>>
    %dma_wait3A_454 = arith.constant 96 : i32
    %dma_wait3A_455 = arith.constant 0 : i32
    %dma_wait3A_456 = tpu.memref_slice %arg6[%dma_wait3A_454, %dma_wait3A_455] : memref<512x16xf32, #tpu.memory_space<vmem>> -> memref<16x16xf32, #tpu.memory_space<vmem>>
    %dma_wait3A_457 = arith.constant 0 : i32
    %dma_wait3A_458 = tpu.memref_slice %arg2[%add3A_75, %dma_wait3A_457] : memref<16384x16xf32, #tpu.memory_space<hbm>> -> memref<16x16xf32, #tpu.memory_space<hbm>>
    tpu.wait_dma2 semaphore(%arg10 : memref<!tpu.dma_semaphore, #tpu.memory_space<semaphore_mem>>) src(%dma_wait3A_458 : memref<16x16xf32, #tpu.memory_space<hbm>>) dst(%dma_wait3A_456 : memref<16x16xf32, #tpu.memory_space<vmem>>)
    %dma_wait3A_459 = arith.constant 112 : i32
    %dma_wait3A_460 = arith.constant 0 : i32
    %dma_wait3A_461 = tpu.memref_slice %arg6[%dma_wait3A_459, %dma_wait3A_460] : memref<512x16xf32, #tpu.memory_space<vmem>> -> memref<16x16xf32, #tpu.memory_space<vmem>>
    %dma_wait3A_462 = arith.constant 0 : i32
    %dma_wait3A_463 = tpu.memref_slice %arg2[%add3A_87, %dma_wait3A_462] : memref<16384x16xf32, #tpu.memory_space<hbm>> -> memref<16x16xf32, #tpu.memory_space<hbm>>
    %dma_wait3A_464 = arith.constant 112 : i32
    %dma_wait3A_465 = arith.constant 0 : i32
    %dma_wait3A_466 = tpu.memref_slice %arg6[%dma_wait3A_464, %dma_wait3A_465] : memref<512x16xf32, #tpu.memory_space<vmem>> -> memref<16x16xf32, #tpu.memory_space<vmem>>
    %dma_wait3A_467 = arith.constant 0 : i32
    %dma_wait3A_468 = tpu.memref_slice %arg2[%add3A_87, %dma_wait3A_467] : memref<16384x16xf32, #tpu.memory_space<hbm>> -> memref<16x16xf32, #tpu.memory_space<hbm>>
    tpu.wait_dma2 semaphore(%arg10 : memref<!tpu.dma_semaphore, #tpu.memory_space<semaphore_mem>>) src(%dma_wait3A_468 : memref<16x16xf32, #tpu.memory_space<hbm>>) dst(%dma_wait3A_466 : memref<16x16xf32, #tpu.memory_space<vmem>>)
    %dma_wait3A_469 = arith.constant 128 : i32
    %dma_wait3A_470 = arith.constant 0 : i32
    %dma_wait3A_471 = tpu.memref_slice %arg6[%dma_wait3A_469, %dma_wait3A_470] : memref<512x16xf32, #tpu.memory_space<vmem>> -> memref<16x16xf32, #tpu.memory_space<vmem>>
    %dma_wait3A_472 = arith.constant 0 : i32
    %dma_wait3A_473 = tpu.memref_slice %arg2[%add3A_99, %dma_wait3A_472] : memref<16384x16xf32, #tpu.memory_space<hbm>> -> memref<16x16xf32, #tpu.memory_space<hbm>>
    %dma_wait3A_474 = arith.constant 128 : i32
    %dma_wait3A_475 = arith.constant 0 : i32
    %dma_wait3A_476 = tpu.memref_slice %arg6[%dma_wait3A_474, %dma_wait3A_475] : memref<512x16xf32, #tpu.memory_space<vmem>> -> memref<16x16xf32, #tpu.memory_space<vmem>>
    %dma_wait3A_477 = arith.constant 0 : i32
    %dma_wait3A_478 = tpu.memref_slice %arg2[%add3A_99, %dma_wait3A_477] : memref<16384x16xf32, #tpu.memory_space<hbm>> -> memref<16x16xf32, #tpu.memory_space<hbm>>
    tpu.wait_dma2 semaphore(%arg10 : memref<!tpu.dma_semaphore, #tpu.memory_space<semaphore_mem>>) src(%dma_wait3A_478 : memref<16x16xf32, #tpu.memory_space<hbm>>) dst(%dma_wait3A_476 : memref<16x16xf32, #tpu.memory_space<vmem>>)
    %dma_wait3A_479 = arith.constant 144 : i32
    %dma_wait3A_480 = arith.constant 0 : i32
    %dma_wait3A_481 = tpu.memref_slice %arg6[%dma_wait3A_479, %dma_wait3A_480] : memref<512x16xf32, #tpu.memory_space<vmem>> -> memref<16x16xf32, #tpu.memory_space<vmem>>
    %dma_wait3A_482 = arith.constant 0 : i32
    %dma_wait3A_483 = tpu.memref_slice %arg2[%add3A_111, %dma_wait3A_482] : memref<16384x16xf32, #tpu.memory_space<hbm>> -> memref<16x16xf32, #tpu.memory_space<hbm>>
    %dma_wait3A_484 = arith.constant 144 : i32
    %dma_wait3A_485 = arith.constant 0 : i32
    %dma_wait3A_486 = tpu.memref_slice %arg6[%dma_wait3A_484, %dma_wait3A_485] : memref<512x16xf32, #tpu.memory_space<vmem>> -> memref<16x16xf32, #tpu.memory_space<vmem>>
    %dma_wait3A_487 = arith.constant 0 : i32
    %dma_wait3A_488 = tpu.memref_slice %arg2[%add3A_111, %dma_wait3A_487] : memref<16384x16xf32, #tpu.memory_space<hbm>> -> memref<16x16xf32, #tpu.memory_space<hbm>>
    tpu.wait_dma2 semaphore(%arg10 : memref<!tpu.dma_semaphore, #tpu.memory_space<semaphore_mem>>) src(%dma_wait3A_488 : memref<16x16xf32, #tpu.memory_space<hbm>>) dst(%dma_wait3A_486 : memref<16x16xf32, #tpu.memory_space<vmem>>)
    %dma_wait3A_489 = arith.constant 160 : i32
    %dma_wait3A_490 = arith.constant 0 : i32
    %dma_wait3A_491 = tpu.memref_slice %arg6[%dma_wait3A_489, %dma_wait3A_490] : memref<512x16xf32, #tpu.memory_space<vmem>> -> memref<16x16xf32, #tpu.memory_space<vmem>>
    %dma_wait3A_492 = arith.constant 0 : i32
    %dma_wait3A_493 = tpu.memref_slice %arg2[%add3A_123, %dma_wait3A_492] : memref<16384x16xf32, #tpu.memory_space<hbm>> -> memref<16x16xf32, #tpu.memory_space<hbm>>
    %dma_wait3A_494 = arith.constant 160 : i32
    %dma_wait3A_495 = arith.constant 0 : i32
    %dma_wait3A_496 = tpu.memref_slice %arg6[%dma_wait3A_494, %dma_wait3A_495] : memref<512x16xf32, #tpu.memory_space<vmem>> -> memref<16x16xf32, #tpu.memory_space<vmem>>
    %dma_wait3A_497 = arith.constant 0 : i32
    %dma_wait3A_498 = tpu.memref_slice %arg2[%add3A_123, %dma_wait3A_497] : memref<16384x16xf32, #tpu.memory_space<hbm>> -> memref<16x16xf32, #tpu.memory_space<hbm>>
    tpu.wait_dma2 semaphore(%arg10 : memref<!tpu.dma_semaphore, #tpu.memory_space<semaphore_mem>>) src(%dma_wait3A_498 : memref<16x16xf32, #tpu.memory_space<hbm>>) dst(%dma_wait3A_496 : memref<16x16xf32, #tpu.memory_space<vmem>>)
    %dma_wait3A_499 = arith.constant 176 : i32
    %dma_wait3A_500 = arith.constant 0 : i32
    %dma_wait3A_501 = tpu.memref_slice %arg6[%dma_wait3A_499, %dma_wait3A_500] : memref<512x16xf32, #tpu.memory_space<vmem>> -> memref<16x16xf32, #tpu.memory_space<vmem>>
    %dma_wait3A_502 = arith.constant 0 : i32
    %dma_wait3A_503 = tpu.memref_slice %arg2[%add3A_135, %dma_wait3A_502] : memref<16384x16xf32, #tpu.memory_space<hbm>> -> memref<16x16xf32, #tpu.memory_space<hbm>>
    %dma_wait3A_504 = arith.constant 176 : i32
    %dma_wait3A_505 = arith.constant 0 : i32
    %dma_wait3A_506 = tpu.memref_slice %arg6[%dma_wait3A_504, %dma_wait3A_505] : memref<512x16xf32, #tpu.memory_space<vmem>> -> memref<16x16xf32, #tpu.memory_space<vmem>>
    %dma_wait3A_507 = arith.constant 0 : i32
    %dma_wait3A_508 = tpu.memref_slice %arg2[%add3A_135, %dma_wait3A_507] : memref<16384x16xf32, #tpu.memory_space<hbm>> -> memref<16x16xf32, #tpu.memory_space<hbm>>
    tpu.wait_dma2 semaphore(%arg10 : memref<!tpu.dma_semaphore, #tpu.memory_space<semaphore_mem>>) src(%dma_wait3A_508 : memref<16x16xf32, #tpu.memory_space<hbm>>) dst(%dma_wait3A_506 : memref<16x16xf32, #tpu.memory_space<vmem>>)
    %dma_wait3A_509 = arith.constant 192 : i32
    %dma_wait3A_510 = arith.constant 0 : i32
    %dma_wait3A_511 = tpu.memref_slice %arg6[%dma_wait3A_509, %dma_wait3A_510] : memref<512x16xf32, #tpu.memory_space<vmem>> -> memref<16x16xf32, #tpu.memory_space<vmem>>
    %dma_wait3A_512 = arith.constant 0 : i32
    %dma_wait3A_513 = tpu.memref_slice %arg2[%add3A_147, %dma_wait3A_512] : memref<16384x16xf32, #tpu.memory_space<hbm>> -> memref<16x16xf32, #tpu.memory_space<hbm>>
    %dma_wait3A_514 = arith.constant 192 : i32
    %dma_wait3A_515 = arith.constant 0 : i32
    %dma_wait3A_516 = tpu.memref_slice %arg6[%dma_wait3A_514, %dma_wait3A_515] : memref<512x16xf32, #tpu.memory_space<vmem>> -> memref<16x16xf32, #tpu.memory_space<vmem>>
    %dma_wait3A_517 = arith.constant 0 : i32
    %dma_wait3A_518 = tpu.memref_slice %arg2[%add3A_147, %dma_wait3A_517] : memref<16384x16xf32, #tpu.memory_space<hbm>> -> memref<16x16xf32, #tpu.memory_space<hbm>>
    tpu.wait_dma2 semaphore(%arg10 : memref<!tpu.dma_semaphore, #tpu.memory_space<semaphore_mem>>) src(%dma_wait3A_518 : memref<16x16xf32, #tpu.memory_space<hbm>>) dst(%dma_wait3A_516 : memref<16x16xf32, #tpu.memory_space<vmem>>)
    %dma_wait3A_519 = arith.constant 208 : i32
    %dma_wait3A_520 = arith.constant 0 : i32
    %dma_wait3A_521 = tpu.memref_slice %arg6[%dma_wait3A_519, %dma_wait3A_520] : memref<512x16xf32, #tpu.memory_space<vmem>> -> memref<16x16xf32, #tpu.memory_space<vmem>>
    %dma_wait3A_522 = arith.constant 0 : i32
    %dma_wait3A_523 = tpu.memref_slice %arg2[%add3A_159, %dma_wait3A_522] : memref<16384x16xf32, #tpu.memory_space<hbm>> -> memref<16x16xf32, #tpu.memory_space<hbm>>
    %dma_wait3A_524 = arith.constant 208 : i32
    %dma_wait3A_525 = arith.constant 0 : i32
    %dma_wait3A_526 = tpu.memref_slice %arg6[%dma_wait3A_524, %dma_wait3A_525] : memref<512x16xf32, #tpu.memory_space<vmem>> -> memref<16x16xf32, #tpu.memory_space<vmem>>
    %dma_wait3A_527 = arith.constant 0 : i32
    %dma_wait3A_528 = tpu.memref_slice %arg2[%add3A_159, %dma_wait3A_527] : memref<16384x16xf32, #tpu.memory_space<hbm>> -> memref<16x16xf32, #tpu.memory_space<hbm>>
    tpu.wait_dma2 semaphore(%arg10 : memref<!tpu.dma_semaphore, #tpu.memory_space<semaphore_mem>>) src(%dma_wait3A_528 : memref<16x16xf32, #tpu.memory_space<hbm>>) dst(%dma_wait3A_526 : memref<16x16xf32, #tpu.memory_space<vmem>>)
    %dma_wait3A_529 = arith.constant 224 : i32
    %dma_wait3A_530 = arith.constant 0 : i32
    %dma_wait3A_531 = tpu.memref_slice %arg6[%dma_wait3A_529, %dma_wait3A_530] : memref<512x16xf32, #tpu.memory_space<vmem>> -> memref<16x16xf32, #tpu.memory_space<vmem>>
    %dma_wait3A_532 = arith.constant 0 : i32
    %dma_wait3A_533 = tpu.memref_slice %arg2[%add3A_171, %dma_wait3A_532] : memref<16384x16xf32, #tpu.memory_space<hbm>> -> memref<16x16xf32, #tpu.memory_space<hbm>>
    %dma_wait3A_534 = arith.constant 224 : i32
    %dma_wait3A_535 = arith.constant 0 : i32
    %dma_wait3A_536 = tpu.memref_slice %arg6[%dma_wait3A_534, %dma_wait3A_535] : memref<512x16xf32, #tpu.memory_space<vmem>> -> memref<16x16xf32, #tpu.memory_space<vmem>>
    %dma_wait3A_537 = arith.constant 0 : i32
    %dma_wait3A_538 = tpu.memref_slice %arg2[%add3A_171, %dma_wait3A_537] : memref<16384x16xf32, #tpu.memory_space<hbm>> -> memref<16x16xf32, #tpu.memory_space<hbm>>
    tpu.wait_dma2 semaphore(%arg10 : memref<!tpu.dma_semaphore, #tpu.memory_space<semaphore_mem>>) src(%dma_wait3A_538 : memref<16x16xf32, #tpu.memory_space<hbm>>) dst(%dma_wait3A_536 : memref<16x16xf32, #tpu.memory_space<vmem>>)
    %dma_wait3A_539 = arith.constant 240 : i32
    %dma_wait3A_540 = arith.constant 0 : i32
    %dma_wait3A_541 = tpu.memref_slice %arg6[%dma_wait3A_539, %dma_wait3A_540] : memref<512x16xf32, #tpu.memory_space<vmem>> -> memref<16x16xf32, #tpu.memory_space<vmem>>
    %dma_wait3A_542 = arith.constant 0 : i32
    %dma_wait3A_543 = tpu.memref_slice %arg2[%add3A_183, %dma_wait3A_542] : memref<16384x16xf32, #tpu.memory_space<hbm>> -> memref<16x16xf32, #tpu.memory_space<hbm>>
    %dma_wait3A_544 = arith.constant 240 : i32
    %dma_wait3A_545 = arith.constant 0 : i32
    %dma_wait3A_546 = tpu.memref_slice %arg6[%dma_wait3A_544, %dma_wait3A_545] : memref<512x16xf32, #tpu.memory_space<vmem>> -> memref<16x16xf32, #tpu.memory_space<vmem>>
    %dma_wait3A_547 = arith.constant 0 : i32
    %dma_wait3A_548 = tpu.memref_slice %arg2[%add3A_183, %dma_wait3A_547] : memref<16384x16xf32, #tpu.memory_space<hbm>> -> memref<16x16xf32, #tpu.memory_space<hbm>>
    tpu.wait_dma2 semaphore(%arg10 : memref<!tpu.dma_semaphore, #tpu.memory_space<semaphore_mem>>) src(%dma_wait3A_548 : memref<16x16xf32, #tpu.memory_space<hbm>>) dst(%dma_wait3A_546 : memref<16x16xf32, #tpu.memory_space<vmem>>)
    %dma_wait3A_549 = arith.constant 256 : i32
    %dma_wait3A_550 = arith.constant 0 : i32
    %dma_wait3A_551 = tpu.memref_slice %arg6[%dma_wait3A_549, %dma_wait3A_550] : memref<512x16xf32, #tpu.memory_space<vmem>> -> memref<16x16xf32, #tpu.memory_space<vmem>>
    %dma_wait3A_552 = arith.constant 0 : i32
    %dma_wait3A_553 = tpu.memref_slice %arg2[%add3A_195, %dma_wait3A_552] : memref<16384x16xf32, #tpu.memory_space<hbm>> -> memref<16x16xf32, #tpu.memory_space<hbm>>
    %dma_wait3A_554 = arith.constant 256 : i32
    %dma_wait3A_555 = arith.constant 0 : i32
    %dma_wait3A_556 = tpu.memref_slice %arg6[%dma_wait3A_554, %dma_wait3A_555] : memref<512x16xf32, #tpu.memory_space<vmem>> -> memref<16x16xf32, #tpu.memory_space<vmem>>
    %dma_wait3A_557 = arith.constant 0 : i32
    %dma_wait3A_558 = tpu.memref_slice %arg2[%add3A_195, %dma_wait3A_557] : memref<16384x16xf32, #tpu.memory_space<hbm>> -> memref<16x16xf32, #tpu.memory_space<hbm>>
    tpu.wait_dma2 semaphore(%arg10 : memref<!tpu.dma_semaphore, #tpu.memory_space<semaphore_mem>>) src(%dma_wait3A_558 : memref<16x16xf32, #tpu.memory_space<hbm>>) dst(%dma_wait3A_556 : memref<16x16xf32, #tpu.memory_space<vmem>>)
    %dma_wait3A_559 = arith.constant 272 : i32
    %dma_wait3A_560 = arith.constant 0 : i32
    %dma_wait3A_561 = tpu.memref_slice %arg6[%dma_wait3A_559, %dma_wait3A_560] : memref<512x16xf32, #tpu.memory_space<vmem>> -> memref<16x16xf32, #tpu.memory_space<vmem>>
    %dma_wait3A_562 = arith.constant 0 : i32
    %dma_wait3A_563 = tpu.memref_slice %arg2[%add3A_207, %dma_wait3A_562] : memref<16384x16xf32, #tpu.memory_space<hbm>> -> memref<16x16xf32, #tpu.memory_space<hbm>>
    %dma_wait3A_564 = arith.constant 272 : i32
    %dma_wait3A_565 = arith.constant 0 : i32
    %dma_wait3A_566 = tpu.memref_slice %arg6[%dma_wait3A_564, %dma_wait3A_565] : memref<512x16xf32, #tpu.memory_space<vmem>> -> memref<16x16xf32, #tpu.memory_space<vmem>>
    %dma_wait3A_567 = arith.constant 0 : i32
    %dma_wait3A_568 = tpu.memref_slice %arg2[%add3A_207, %dma_wait3A_567] : memref<16384x16xf32, #tpu.memory_space<hbm>> -> memref<16x16xf32, #tpu.memory_space<hbm>>
    tpu.wait_dma2 semaphore(%arg10 : memref<!tpu.dma_semaphore, #tpu.memory_space<semaphore_mem>>) src(%dma_wait3A_568 : memref<16x16xf32, #tpu.memory_space<hbm>>) dst(%dma_wait3A_566 : memref<16x16xf32, #tpu.memory_space<vmem>>)
    %dma_wait3A_569 = arith.constant 288 : i32
    %dma_wait3A_570 = arith.constant 0 : i32
    %dma_wait3A_571 = tpu.memref_slice %arg6[%dma_wait3A_569, %dma_wait3A_570] : memref<512x16xf32, #tpu.memory_space<vmem>> -> memref<16x16xf32, #tpu.memory_space<vmem>>
    %dma_wait3A_572 = arith.constant 0 : i32
    %dma_wait3A_573 = tpu.memref_slice %arg2[%add3A_219, %dma_wait3A_572] : memref<16384x16xf32, #tpu.memory_space<hbm>> -> memref<16x16xf32, #tpu.memory_space<hbm>>
    %dma_wait3A_574 = arith.constant 288 : i32
    %dma_wait3A_575 = arith.constant 0 : i32
    %dma_wait3A_576 = tpu.memref_slice %arg6[%dma_wait3A_574, %dma_wait3A_575] : memref<512x16xf32, #tpu.memory_space<vmem>> -> memref<16x16xf32, #tpu.memory_space<vmem>>
    %dma_wait3A_577 = arith.constant 0 : i32
    %dma_wait3A_578 = tpu.memref_slice %arg2[%add3A_219, %dma_wait3A_577] : memref<16384x16xf32, #tpu.memory_space<hbm>> -> memref<16x16xf32, #tpu.memory_space<hbm>>
    tpu.wait_dma2 semaphore(%arg10 : memref<!tpu.dma_semaphore, #tpu.memory_space<semaphore_mem>>) src(%dma_wait3A_578 : memref<16x16xf32, #tpu.memory_space<hbm>>) dst(%dma_wait3A_576 : memref<16x16xf32, #tpu.memory_space<vmem>>)
    %dma_wait3A_579 = arith.constant 304 : i32
    %dma_wait3A_580 = arith.constant 0 : i32
    %dma_wait3A_581 = tpu.memref_slice %arg6[%dma_wait3A_579, %dma_wait3A_580] : memref<512x16xf32, #tpu.memory_space<vmem>> -> memref<16x16xf32, #tpu.memory_space<vmem>>
    %dma_wait3A_582 = arith.constant 0 : i32
    %dma_wait3A_583 = tpu.memref_slice %arg2[%add3A_231, %dma_wait3A_582] : memref<16384x16xf32, #tpu.memory_space<hbm>> -> memref<16x16xf32, #tpu.memory_space<hbm>>
    %dma_wait3A_584 = arith.constant 304 : i32
    %dma_wait3A_585 = arith.constant 0 : i32
    %dma_wait3A_586 = tpu.memref_slice %arg6[%dma_wait3A_584, %dma_wait3A_585] : memref<512x16xf32, #tpu.memory_space<vmem>> -> memref<16x16xf32, #tpu.memory_space<vmem>>
    %dma_wait3A_587 = arith.constant 0 : i32
    %dma_wait3A_588 = tpu.memref_slice %arg2[%add3A_231, %dma_wait3A_587] : memref<16384x16xf32, #tpu.memory_space<hbm>> -> memref<16x16xf32, #tpu.memory_space<hbm>>
    tpu.wait_dma2 semaphore(%arg10 : memref<!tpu.dma_semaphore, #tpu.memory_space<semaphore_mem>>) src(%dma_wait3A_588 : memref<16x16xf32, #tpu.memory_space<hbm>>) dst(%dma_wait3A_586 : memref<16x16xf32, #tpu.memory_space<vmem>>)
    %dma_wait3A_589 = arith.constant 320 : i32
    %dma_wait3A_590 = arith.constant 0 : i32
    %dma_wait3A_591 = tpu.memref_slice %arg6[%dma_wait3A_589, %dma_wait3A_590] : memref<512x16xf32, #tpu.memory_space<vmem>> -> memref<16x16xf32, #tpu.memory_space<vmem>>
    %dma_wait3A_592 = arith.constant 0 : i32
    %dma_wait3A_593 = tpu.memref_slice %arg2[%add3A_243, %dma_wait3A_592] : memref<16384x16xf32, #tpu.memory_space<hbm>> -> memref<16x16xf32, #tpu.memory_space<hbm>>
    %dma_wait3A_594 = arith.constant 320 : i32
    %dma_wait3A_595 = arith.constant 0 : i32
    %dma_wait3A_596 = tpu.memref_slice %arg6[%dma_wait3A_594, %dma_wait3A_595] : memref<512x16xf32, #tpu.memory_space<vmem>> -> memref<16x16xf32, #tpu.memory_space<vmem>>
    %dma_wait3A_597 = arith.constant 0 : i32
    %dma_wait3A_598 = tpu.memref_slice %arg2[%add3A_243, %dma_wait3A_597] : memref<16384x16xf32, #tpu.memory_space<hbm>> -> memref<16x16xf32, #tpu.memory_space<hbm>>
    tpu.wait_dma2 semaphore(%arg10 : memref<!tpu.dma_semaphore, #tpu.memory_space<semaphore_mem>>) src(%dma_wait3A_598 : memref<16x16xf32, #tpu.memory_space<hbm>>) dst(%dma_wait3A_596 : memref<16x16xf32, #tpu.memory_space<vmem>>)
    %dma_wait3A_599 = arith.constant 336 : i32
    %dma_wait3A_600 = arith.constant 0 : i32
    %dma_wait3A_601 = tpu.memref_slice %arg6[%dma_wait3A_599, %dma_wait3A_600] : memref<512x16xf32, #tpu.memory_space<vmem>> -> memref<16x16xf32, #tpu.memory_space<vmem>>
    %dma_wait3A_602 = arith.constant 0 : i32
    %dma_wait3A_603 = tpu.memref_slice %arg2[%add3A_255, %dma_wait3A_602] : memref<16384x16xf32, #tpu.memory_space<hbm>> -> memref<16x16xf32, #tpu.memory_space<hbm>>
    %dma_wait3A_604 = arith.constant 336 : i32
    %dma_wait3A_605 = arith.constant 0 : i32
    %dma_wait3A_606 = tpu.memref_slice %arg6[%dma_wait3A_604, %dma_wait3A_605] : memref<512x16xf32, #tpu.memory_space<vmem>> -> memref<16x16xf32, #tpu.memory_space<vmem>>
    %dma_wait3A_607 = arith.constant 0 : i32
    %dma_wait3A_608 = tpu.memref_slice %arg2[%add3A_255, %dma_wait3A_607] : memref<16384x16xf32, #tpu.memory_space<hbm>> -> memref<16x16xf32, #tpu.memory_space<hbm>>
    tpu.wait_dma2 semaphore(%arg10 : memref<!tpu.dma_semaphore, #tpu.memory_space<semaphore_mem>>) src(%dma_wait3A_608 : memref<16x16xf32, #tpu.memory_space<hbm>>) dst(%dma_wait3A_606 : memref<16x16xf32, #tpu.memory_space<vmem>>)
    %dma_wait3A_609 = arith.constant 352 : i32
    %dma_wait3A_610 = arith.constant 0 : i32
    %dma_wait3A_611 = tpu.memref_slice %arg6[%dma_wait3A_609, %dma_wait3A_610] : memref<512x16xf32, #tpu.memory_space<vmem>> -> memref<16x16xf32, #tpu.memory_space<vmem>>
    %dma_wait3A_612 = arith.constant 0 : i32
    %dma_wait3A_613 = tpu.memref_slice %arg2[%add3A_267, %dma_wait3A_612] : memref<16384x16xf32, #tpu.memory_space<hbm>> -> memref<16x16xf32, #tpu.memory_space<hbm>>
    %dma_wait3A_614 = arith.constant 352 : i32
    %dma_wait3A_615 = arith.constant 0 : i32
    %dma_wait3A_616 = tpu.memref_slice %arg6[%dma_wait3A_614, %dma_wait3A_615] : memref<512x16xf32, #tpu.memory_space<vmem>> -> memref<16x16xf32, #tpu.memory_space<vmem>>
    %dma_wait3A_617 = arith.constant 0 : i32
    %dma_wait3A_618 = tpu.memref_slice %arg2[%add3A_267, %dma_wait3A_617] : memref<16384x16xf32, #tpu.memory_space<hbm>> -> memref<16x16xf32, #tpu.memory_space<hbm>>
    tpu.wait_dma2 semaphore(%arg10 : memref<!tpu.dma_semaphore, #tpu.memory_space<semaphore_mem>>) src(%dma_wait3A_618 : memref<16x16xf32, #tpu.memory_space<hbm>>) dst(%dma_wait3A_616 : memref<16x16xf32, #tpu.memory_space<vmem>>)
    %dma_wait3A_619 = arith.constant 368 : i32
    %dma_wait3A_620 = arith.constant 0 : i32
    %dma_wait3A_621 = tpu.memref_slice %arg6[%dma_wait3A_619, %dma_wait3A_620] : memref<512x16xf32, #tpu.memory_space<vmem>> -> memref<16x16xf32, #tpu.memory_space<vmem>>
    %dma_wait3A_622 = arith.constant 0 : i32
    %dma_wait3A_623 = tpu.memref_slice %arg2[%add3A_279, %dma_wait3A_622] : memref<16384x16xf32, #tpu.memory_space<hbm>> -> memref<16x16xf32, #tpu.memory_space<hbm>>
    %dma_wait3A_624 = arith.constant 368 : i32
    %dma_wait3A_625 = arith.constant 0 : i32
    %dma_wait3A_626 = tpu.memref_slice %arg6[%dma_wait3A_624, %dma_wait3A_625] : memref<512x16xf32, #tpu.memory_space<vmem>> -> memref<16x16xf32, #tpu.memory_space<vmem>>
    %dma_wait3A_627 = arith.constant 0 : i32
    %dma_wait3A_628 = tpu.memref_slice %arg2[%add3A_279, %dma_wait3A_627] : memref<16384x16xf32, #tpu.memory_space<hbm>> -> memref<16x16xf32, #tpu.memory_space<hbm>>
    tpu.wait_dma2 semaphore(%arg10 : memref<!tpu.dma_semaphore, #tpu.memory_space<semaphore_mem>>) src(%dma_wait3A_628 : memref<16x16xf32, #tpu.memory_space<hbm>>) dst(%dma_wait3A_626 : memref<16x16xf32, #tpu.memory_space<vmem>>)
    %dma_wait3A_629 = arith.constant 384 : i32
    %dma_wait3A_630 = arith.constant 0 : i32
    %dma_wait3A_631 = tpu.memref_slice %arg6[%dma_wait3A_629, %dma_wait3A_630] : memref<512x16xf32, #tpu.memory_space<vmem>> -> memref<16x16xf32, #tpu.memory_space<vmem>>
    %dma_wait3A_632 = arith.constant 0 : i32
    %dma_wait3A_633 = tpu.memref_slice %arg2[%add3A_291, %dma_wait3A_632] : memref<16384x16xf32, #tpu.memory_space<hbm>> -> memref<16x16xf32, #tpu.memory_space<hbm>>
    %dma_wait3A_634 = arith.constant 384 : i32
    %dma_wait3A_635 = arith.constant 0 : i32
    %dma_wait3A_636 = tpu.memref_slice %arg6[%dma_wait3A_634, %dma_wait3A_635] : memref<512x16xf32, #tpu.memory_space<vmem>> -> memref<16x16xf32, #tpu.memory_space<vmem>>
    %dma_wait3A_637 = arith.constant 0 : i32
    %dma_wait3A_638 = tpu.memref_slice %arg2[%add3A_291, %dma_wait3A_637] : memref<16384x16xf32, #tpu.memory_space<hbm>> -> memref<16x16xf32, #tpu.memory_space<hbm>>
    tpu.wait_dma2 semaphore(%arg10 : memref<!tpu.dma_semaphore, #tpu.memory_space<semaphore_mem>>) src(%dma_wait3A_638 : memref<16x16xf32, #tpu.memory_space<hbm>>) dst(%dma_wait3A_636 : memref<16x16xf32, #tpu.memory_space<vmem>>)
    %dma_wait3A_639 = arith.constant 400 : i32
    %dma_wait3A_640 = arith.constant 0 : i32
    %dma_wait3A_641 = tpu.memref_slice %arg6[%dma_wait3A_639, %dma_wait3A_640] : memref<512x16xf32, #tpu.memory_space<vmem>> -> memref<16x16xf32, #tpu.memory_space<vmem>>
    %dma_wait3A_642 = arith.constant 0 : i32
    %dma_wait3A_643 = tpu.memref_slice %arg2[%add3A_303, %dma_wait3A_642] : memref<16384x16xf32, #tpu.memory_space<hbm>> -> memref<16x16xf32, #tpu.memory_space<hbm>>
    %dma_wait3A_644 = arith.constant 400 : i32
    %dma_wait3A_645 = arith.constant 0 : i32
    %dma_wait3A_646 = tpu.memref_slice %arg6[%dma_wait3A_644, %dma_wait3A_645] : memref<512x16xf32, #tpu.memory_space<vmem>> -> memref<16x16xf32, #tpu.memory_space<vmem>>
    %dma_wait3A_647 = arith.constant 0 : i32
    %dma_wait3A_648 = tpu.memref_slice %arg2[%add3A_303, %dma_wait3A_647] : memref<16384x16xf32, #tpu.memory_space<hbm>> -> memref<16x16xf32, #tpu.memory_space<hbm>>
    tpu.wait_dma2 semaphore(%arg10 : memref<!tpu.dma_semaphore, #tpu.memory_space<semaphore_mem>>) src(%dma_wait3A_648 : memref<16x16xf32, #tpu.memory_space<hbm>>) dst(%dma_wait3A_646 : memref<16x16xf32, #tpu.memory_space<vmem>>)
    %dma_wait3A_649 = arith.constant 416 : i32
    %dma_wait3A_650 = arith.constant 0 : i32
    %dma_wait3A_651 = tpu.memref_slice %arg6[%dma_wait3A_649, %dma_wait3A_650] : memref<512x16xf32, #tpu.memory_space<vmem>> -> memref<16x16xf32, #tpu.memory_space<vmem>>
    %dma_wait3A_652 = arith.constant 0 : i32
    %dma_wait3A_653 = tpu.memref_slice %arg2[%add3A_315, %dma_wait3A_652] : memref<16384x16xf32, #tpu.memory_space<hbm>> -> memref<16x16xf32, #tpu.memory_space<hbm>>
    %dma_wait3A_654 = arith.constant 416 : i32
    %dma_wait3A_655 = arith.constant 0 : i32
    %dma_wait3A_656 = tpu.memref_slice %arg6[%dma_wait3A_654, %dma_wait3A_655] : memref<512x16xf32, #tpu.memory_space<vmem>> -> memref<16x16xf32, #tpu.memory_space<vmem>>
    %dma_wait3A_657 = arith.constant 0 : i32
    %dma_wait3A_658 = tpu.memref_slice %arg2[%add3A_315, %dma_wait3A_657] : memref<16384x16xf32, #tpu.memory_space<hbm>> -> memref<16x16xf32, #tpu.memory_space<hbm>>
    tpu.wait_dma2 semaphore(%arg10 : memref<!tpu.dma_semaphore, #tpu.memory_space<semaphore_mem>>) src(%dma_wait3A_658 : memref<16x16xf32, #tpu.memory_space<hbm>>) dst(%dma_wait3A_656 : memref<16x16xf32, #tpu.memory_space<vmem>>)
    %dma_wait3A_659 = arith.constant 432 : i32
    %dma_wait3A_660 = arith.constant 0 : i32
    %dma_wait3A_661 = tpu.memref_slice %arg6[%dma_wait3A_659, %dma_wait3A_660] : memref<512x16xf32, #tpu.memory_space<vmem>> -> memref<16x16xf32, #tpu.memory_space<vmem>>
    %dma_wait3A_662 = arith.constant 0 : i32
    %dma_wait3A_663 = tpu.memref_slice %arg2[%add3A_327, %dma_wait3A_662] : memref<16384x16xf32, #tpu.memory_space<hbm>> -> memref<16x16xf32, #tpu.memory_space<hbm>>
    %dma_wait3A_664 = arith.constant 432 : i32
    %dma_wait3A_665 = arith.constant 0 : i32
    %dma_wait3A_666 = tpu.memref_slice %arg6[%dma_wait3A_664, %dma_wait3A_665] : memref<512x16xf32, #tpu.memory_space<vmem>> -> memref<16x16xf32, #tpu.memory_space<vmem>>
    %dma_wait3A_667 = arith.constant 0 : i32
    %dma_wait3A_668 = tpu.memref_slice %arg2[%add3A_327, %dma_wait3A_667] : memref<16384x16xf32, #tpu.memory_space<hbm>> -> memref<16x16xf32, #tpu.memory_space<hbm>>
    tpu.wait_dma2 semaphore(%arg10 : memref<!tpu.dma_semaphore, #tpu.memory_space<semaphore_mem>>) src(%dma_wait3A_668 : memref<16x16xf32, #tpu.memory_space<hbm>>) dst(%dma_wait3A_666 : memref<16x16xf32, #tpu.memory_space<vmem>>)
    %dma_wait3A_669 = arith.constant 448 : i32
    %dma_wait3A_670 = arith.constant 0 : i32
    %dma_wait3A_671 = tpu.memref_slice %arg6[%dma_wait3A_669, %dma_wait3A_670] : memref<512x16xf32, #tpu.memory_space<vmem>> -> memref<16x16xf32, #tpu.memory_space<vmem>>
    %dma_wait3A_672 = arith.constant 0 : i32
    %dma_wait3A_673 = tpu.memref_slice %arg2[%add3A_339, %dma_wait3A_672] : memref<16384x16xf32, #tpu.memory_space<hbm>> -> memref<16x16xf32, #tpu.memory_space<hbm>>
    %dma_wait3A_674 = arith.constant 448 : i32
    %dma_wait3A_675 = arith.constant 0 : i32
    %dma_wait3A_676 = tpu.memref_slice %arg6[%dma_wait3A_674, %dma_wait3A_675] : memref<512x16xf32, #tpu.memory_space<vmem>> -> memref<16x16xf32, #tpu.memory_space<vmem>>
    %dma_wait3A_677 = arith.constant 0 : i32
    %dma_wait3A_678 = tpu.memref_slice %arg2[%add3A_339, %dma_wait3A_677] : memref<16384x16xf32, #tpu.memory_space<hbm>> -> memref<16x16xf32, #tpu.memory_space<hbm>>
    tpu.wait_dma2 semaphore(%arg10 : memref<!tpu.dma_semaphore, #tpu.memory_space<semaphore_mem>>) src(%dma_wait3A_678 : memref<16x16xf32, #tpu.memory_space<hbm>>) dst(%dma_wait3A_676 : memref<16x16xf32, #tpu.memory_space<vmem>>)
    %dma_wait3A_679 = arith.constant 464 : i32
    %dma_wait3A_680 = arith.constant 0 : i32
    %dma_wait3A_681 = tpu.memref_slice %arg6[%dma_wait3A_679, %dma_wait3A_680] : memref<512x16xf32, #tpu.memory_space<vmem>> -> memref<16x16xf32, #tpu.memory_space<vmem>>
    %dma_wait3A_682 = arith.constant 0 : i32
    %dma_wait3A_683 = tpu.memref_slice %arg2[%add3A_351, %dma_wait3A_682] : memref<16384x16xf32, #tpu.memory_space<hbm>> -> memref<16x16xf32, #tpu.memory_space<hbm>>
    %dma_wait3A_684 = arith.constant 464 : i32
    %dma_wait3A_685 = arith.constant 0 : i32
    %dma_wait3A_686 = tpu.memref_slice %arg6[%dma_wait3A_684, %dma_wait3A_685] : memref<512x16xf32, #tpu.memory_space<vmem>> -> memref<16x16xf32, #tpu.memory_space<vmem>>
    %dma_wait3A_687 = arith.constant 0 : i32
    %dma_wait3A_688 = tpu.memref_slice %arg2[%add3A_351, %dma_wait3A_687] : memref<16384x16xf32, #tpu.memory_space<hbm>> -> memref<16x16xf32, #tpu.memory_space<hbm>>
    tpu.wait_dma2 semaphore(%arg10 : memref<!tpu.dma_semaphore, #tpu.memory_space<semaphore_mem>>) src(%dma_wait3A_688 : memref<16x16xf32, #tpu.memory_space<hbm>>) dst(%dma_wait3A_686 : memref<16x16xf32, #tpu.memory_space<vmem>>)
    %dma_wait3A_689 = arith.constant 480 : i32
    %dma_wait3A_690 = arith.constant 0 : i32
    %dma_wait3A_691 = tpu.memref_slice %arg6[%dma_wait3A_689, %dma_wait3A_690] : memref<512x16xf32, #tpu.memory_space<vmem>> -> memref<16x16xf32, #tpu.memory_space<vmem>>
    %dma_wait3A_692 = arith.constant 0 : i32
    %dma_wait3A_693 = tpu.memref_slice %arg2[%add3A_363, %dma_wait3A_692] : memref<16384x16xf32, #tpu.memory_space<hbm>> -> memref<16x16xf32, #tpu.memory_space<hbm>>
    %dma_wait3A_694 = arith.constant 480 : i32
    %dma_wait3A_695 = arith.constant 0 : i32
    %dma_wait3A_696 = tpu.memref_slice %arg6[%dma_wait3A_694, %dma_wait3A_695] : memref<512x16xf32, #tpu.memory_space<vmem>> -> memref<16x16xf32, #tpu.memory_space<vmem>>
    %dma_wait3A_697 = arith.constant 0 : i32
    %dma_wait3A_698 = tpu.memref_slice %arg2[%add3A_363, %dma_wait3A_697] : memref<16384x16xf32, #tpu.memory_space<hbm>> -> memref<16x16xf32, #tpu.memory_space<hbm>>
    tpu.wait_dma2 semaphore(%arg10 : memref<!tpu.dma_semaphore, #tpu.memory_space<semaphore_mem>>) src(%dma_wait3A_698 : memref<16x16xf32, #tpu.memory_space<hbm>>) dst(%dma_wait3A_696 : memref<16x16xf32, #tpu.memory_space<vmem>>)
    %dma_wait3A_699 = arith.constant 496 : i32
    %dma_wait3A_700 = arith.constant 0 : i32
    %dma_wait3A_701 = tpu.memref_slice %arg6[%dma_wait3A_699, %dma_wait3A_700] : memref<512x16xf32, #tpu.memory_space<vmem>> -> memref<16x16xf32, #tpu.memory_space<vmem>>
    %dma_wait3A_702 = arith.constant 0 : i32
    %dma_wait3A_703 = tpu.memref_slice %arg2[%add3A_375, %dma_wait3A_702] : memref<16384x16xf32, #tpu.memory_space<hbm>> -> memref<16x16xf32, #tpu.memory_space<hbm>>
    %dma_wait3A_704 = arith.constant 496 : i32
    %dma_wait3A_705 = arith.constant 0 : i32
    %dma_wait3A_706 = tpu.memref_slice %arg6[%dma_wait3A_704, %dma_wait3A_705] : memref<512x16xf32, #tpu.memory_space<vmem>> -> memref<16x16xf32, #tpu.memory_space<vmem>>
    %dma_wait3A_707 = arith.constant 0 : i32
    %dma_wait3A_708 = tpu.memref_slice %arg2[%add3A_375, %dma_wait3A_707] : memref<16384x16xf32, #tpu.memory_space<hbm>> -> memref<16x16xf32, #tpu.memory_space<hbm>>
    tpu.wait_dma2 semaphore(%arg10 : memref<!tpu.dma_semaphore, #tpu.memory_space<semaphore_mem>>) src(%dma_wait3A_708 : memref<16x16xf32, #tpu.memory_space<hbm>>) dst(%dma_wait3A_706 : memref<16x16xf32, #tpu.memory_space<vmem>>)
    %dma_wait3A_709 = tpu.memref_slice %arg4[%mul3A_387] : memref<8192xi32, #tpu.memory_space<hbm>> -> memref<256xi32, #tpu.memory_space<hbm>>
    %dma_wait3A_710 = tpu.memref_slice %arg4[%mul3A_387] : memref<8192xi32, #tpu.memory_space<hbm>> -> memref<256xi32, #tpu.memory_space<hbm>>
    tpu.wait_dma2 semaphore(%arg10 : memref<!tpu.dma_semaphore, #tpu.memory_space<semaphore_mem>>) src(%dma_wait3A_710 : memref<256xi32, #tpu.memory_space<hbm>>) dst(%arg8 : memref<256xi32, #tpu.memory_space<vmem>>)
    tpu.wait_dma2 semaphore(%arg10 : memref<!tpu.dma_semaphore, #tpu.memory_space<semaphore_mem>>) src(%arg3 : memref<16xf32, #tpu.memory_space<hbm>>) dst(%arg9 : memref<16xf32, #tpu.memory_space<vmem>>)
    %scan3A = arith.constant 0 : i32
    %scan3A_711 = arith.constant 0 : i32
    %scan3A_712 = arith.constant 16 : i32
    %scan3A_713 = arith.addi %scan3A_711, %scan3A_712 : i32
    %scan3A_714 = arith.constant 1 : i32
    scf.for %scan3A_716 = %scan3A_711 to %scan3A_713 step %scan3A_714  : i32 {
      %get3A = arith.index_cast %scan3A_716 : i32 to index
      %get3A_717 = arith.constant 0 : index
      %get3A_718 = tpu.vector_load %arg6[%get3A, %get3A_717] {strides = array<i32>} : memref<512x16xf32, #tpu.memory_space<vmem>>, vector<16xf32>,
      %add3A_719 = arith.constant 16 : i32
      %add3A_720 = arith.addi %add3A_719, %scan3A_716 : i32
      %get3A_721 = arith.index_cast %add3A_720 : i32 to index
      %get3A_722 = arith.constant 0 : index
      %get3A_723 = tpu.vector_load %arg6[%get3A_721, %get3A_722] {strides = array<i32>} : memref<512x16xf32, #tpu.memory_space<vmem>>, vector<16xf32>,
      %add3A_724 = arith.addf %get3A_718, %get3A_723 : vector<16xf32>
      %add3A_725 = arith.constant 32 : i32
      %add3A_726 = arith.addi %add3A_725, %scan3A_716 : i32
      %get3A_727 = arith.index_cast %add3A_726 : i32 to index
      %get3A_728 = arith.constant 0 : index
      %get3A_729 = tpu.vector_load %arg6[%get3A_727, %get3A_728] {strides = array<i32>} : memref<512x16xf32, #tpu.memory_space<vmem>>, vector<16xf32>,
      %add3A_730 = arith.addf %add3A_724, %get3A_729 : vector<16xf32>
      %add3A_731 = arith.constant 48 : i32
      %add3A_732 = arith.addi %add3A_731, %scan3A_716 : i32
      %get3A_733 = arith.index_cast %add3A_732 : i32 to index
      %get3A_734 = arith.constant 0 : index
      %get3A_735 = tpu.vector_load %arg6[%get3A_733, %get3A_734] {strides = array<i32>} : memref<512x16xf32, #tpu.memory_space<vmem>>, vector<16xf32>,
      %add3A_736 = arith.addf %add3A_730, %get3A_735 : vector<16xf32>
      %add3A_737 = arith.constant 64 : i32
      %add3A_738 = arith.addi %add3A_737, %scan3A_716 : i32
      %get3A_739 = arith.index_cast %add3A_738 : i32 to index
      %get3A_740 = arith.constant 0 : index
      %get3A_741 = tpu.vector_load %arg6[%get3A_739, %get3A_740] {strides = array<i32>} : memref<512x16xf32, #tpu.memory_space<vmem>>, vector<16xf32>,
      %add3A_742 = arith.addf %add3A_736, %get3A_741 : vector<16xf32>
      %add3A_743 = arith.constant 80 : i32
      %add3A_744 = arith.addi %add3A_743, %scan3A_716 : i32
      %get3A_745 = arith.index_cast %add3A_744 : i32 to index
      %get3A_746 = arith.constant 0 : index
      %get3A_747 = tpu.vector_load %arg6[%get3A_745, %get3A_746] {strides = array<i32>} : memref<512x16xf32, #tpu.memory_space<vmem>>, vector<16xf32>,
      %add3A_748 = arith.addf %add3A_742, %get3A_747 : vector<16xf32>
      %add3A_749 = arith.constant 96 : i32
      %add3A_750 = arith.addi %add3A_749, %scan3A_716 : i32
      %get3A_751 = arith.index_cast %add3A_750 : i32 to index
      %get3A_752 = arith.constant 0 : index
      %get3A_753 = tpu.vector_load %arg6[%get3A_751, %get3A_752] {strides = array<i32>} : memref<512x16xf32, #tpu.memory_space<vmem>>, vector<16xf32>,
      %add3A_754 = arith.addf %add3A_748, %get3A_753 : vector<16xf32>
      %add3A_755 = arith.constant 112 : i32
      %add3A_756 = arith.addi %add3A_755, %scan3A_716 : i32
      %get3A_757 = arith.index_cast %add3A_756 : i32 to index
      %get3A_758 = arith.constant 0 : index
      %get3A_759 = tpu.vector_load %arg6[%get3A_757, %get3A_758] {strides = array<i32>} : memref<512x16xf32, #tpu.memory_space<vmem>>, vector<16xf32>,
      %add3A_760 = arith.addf %add3A_754, %get3A_759 : vector<16xf32>
      %add3A_761 = arith.constant 128 : i32
      %add3A_762 = arith.addi %add3A_761, %scan3A_716 : i32
      %get3A_763 = arith.index_cast %add3A_762 : i32 to index
      %get3A_764 = arith.constant 0 : index
      %get3A_765 = tpu.vector_load %arg6[%get3A_763, %get3A_764] {strides = array<i32>} : memref<512x16xf32, #tpu.memory_space<vmem>>, vector<16xf32>,
      %add3A_766 = arith.addf %add3A_760, %get3A_765 : vector<16xf32>
      %add3A_767 = arith.constant 144 : i32
      %add3A_768 = arith.addi %add3A_767, %scan3A_716 : i32
      %get3A_769 = arith.index_cast %add3A_768 : i32 to index
      %get3A_770 = arith.constant 0 : index
      %get3A_771 = tpu.vector_load %arg6[%get3A_769, %get3A_770] {strides = array<i32>} : memref<512x16xf32, #tpu.memory_space<vmem>>, vector<16xf32>,
      %add3A_772 = arith.addf %add3A_766, %get3A_771 : vector<16xf32>
      %add3A_773 = arith.constant 160 : i32
      %add3A_774 = arith.addi %add3A_773, %scan3A_716 : i32
      %get3A_775 = arith.index_cast %add3A_774 : i32 to index
      %get3A_776 = arith.constant 0 : index
      %get3A_777 = tpu.vector_load %arg6[%get3A_775, %get3A_776] {strides = array<i32>} : memref<512x16xf32, #tpu.memory_space<vmem>>, vector<16xf32>,
      %add3A_778 = arith.addf %add3A_772, %get3A_777 : vector<16xf32>
      %add3A_779 = arith.constant 176 : i32
      %add3A_780 = arith.addi %add3A_779, %scan3A_716 : i32
      %get3A_781 = arith.index_cast %add3A_780 : i32 to index
      %get3A_782 = arith.constant 0 : index
      %get3A_783 = tpu.vector_load %arg6[%get3A_781, %get3A_782] {strides = array<i32>} : memref<512x16xf32, #tpu.memory_space<vmem>>, vector<16xf32>,
      %add3A_784 = arith.addf %add3A_778, %get3A_783 : vector<16xf32>
      %add3A_785 = arith.constant 192 : i32
      %add3A_786 = arith.addi %add3A_785, %scan3A_716 : i32
      %get3A_787 = arith.index_cast %add3A_786 : i32 to index
      %get3A_788 = arith.constant 0 : index
      %get3A_789 = tpu.vector_load %arg6[%get3A_787, %get3A_788] {strides = array<i32>} : memref<512x16xf32, #tpu.memory_space<vmem>>, vector<16xf32>,
      %add3A_790 = arith.addf %add3A_784, %get3A_789 : vector<16xf32>
      %add3A_791 = arith.constant 208 : i32
      %add3A_792 = arith.addi %add3A_791, %scan3A_716 : i32
      %get3A_793 = arith.index_cast %add3A_792 : i32 to index
      %get3A_794 = arith.constant 0 : index
      %get3A_795 = tpu.vector_load %arg6[%get3A_793, %get3A_794] {strides = array<i32>} : memref<512x16xf32, #tpu.memory_space<vmem>>, vector<16xf32>,
      %add3A_796 = arith.addf %add3A_790, %get3A_795 : vector<16xf32>
      %add3A_797 = arith.constant 224 : i32
      %add3A_798 = arith.addi %add3A_797, %scan3A_716 : i32
      %get3A_799 = arith.index_cast %add3A_798 : i32 to index
      %get3A_800 = arith.constant 0 : index
      %get3A_801 = tpu.vector_load %arg6[%get3A_799, %get3A_800] {strides = array<i32>} : memref<512x16xf32, #tpu.memory_space<vmem>>, vector<16xf32>,
      %add3A_802 = arith.addf %add3A_796, %get3A_801 : vector<16xf32>
      %add3A_803 = arith.constant 240 : i32
      %add3A_804 = arith.addi %add3A_803, %scan3A_716 : i32
      %get3A_805 = arith.index_cast %add3A_804 : i32 to index
      %get3A_806 = arith.constant 0 : index
      %get3A_807 = tpu.vector_load %arg6[%get3A_805, %get3A_806] {strides = array<i32>} : memref<512x16xf32, #tpu.memory_space<vmem>>, vector<16xf32>,
      %add3A_808 = arith.addf %add3A_802, %get3A_807 : vector<16xf32>
      %add3A_809 = arith.constant 256 : i32
      %add3A_810 = arith.addi %add3A_809, %scan3A_716 : i32
      %get3A_811 = arith.index_cast %add3A_810 : i32 to index
      %get3A_812 = arith.constant 0 : index
      %get3A_813 = tpu.vector_load %arg6[%get3A_811, %get3A_812] {strides = array<i32>} : memref<512x16xf32, #tpu.memory_space<vmem>>, vector<16xf32>,
      %add3A_814 = arith.addf %add3A_808, %get3A_813 : vector<16xf32>
      %add3A_815 = arith.constant 272 : i32
      %add3A_816 = arith.addi %add3A_815, %scan3A_716 : i32
      %get3A_817 = arith.index_cast %add3A_816 : i32 to index
      %get3A_818 = arith.constant 0 : index
      %get3A_819 = tpu.vector_load %arg6[%get3A_817, %get3A_818] {strides = array<i32>} : memref<512x16xf32, #tpu.memory_space<vmem>>, vector<16xf32>,
      %add3A_820 = arith.addf %add3A_814, %get3A_819 : vector<16xf32>
      %add3A_821 = arith.constant 288 : i32
      %add3A_822 = arith.addi %add3A_821, %scan3A_716 : i32
      %get3A_823 = arith.index_cast %add3A_822 : i32 to index
      %get3A_824 = arith.constant 0 : index
      %get3A_825 = tpu.vector_load %arg6[%get3A_823, %get3A_824] {strides = array<i32>} : memref<512x16xf32, #tpu.memory_space<vmem>>, vector<16xf32>,
      %add3A_826 = arith.addf %add3A_820, %get3A_825 : vector<16xf32>
      %add3A_827 = arith.constant 304 : i32
      %add3A_828 = arith.addi %add3A_827, %scan3A_716 : i32
      %get3A_829 = arith.index_cast %add3A_828 : i32 to index
      %get3A_830 = arith.constant 0 : index
      %get3A_831 = tpu.vector_load %arg6[%get3A_829, %get3A_830] {strides = array<i32>} : memref<512x16xf32, #tpu.memory_space<vmem>>, vector<16xf32>,
      %add3A_832 = arith.addf %add3A_826, %get3A_831 : vector<16xf32>
      %add3A_833 = arith.constant 320 : i32
      %add3A_834 = arith.addi %add3A_833, %scan3A_716 : i32
      %get3A_835 = arith.index_cast %add3A_834 : i32 to index
      %get3A_836 = arith.constant 0 : index
      %get3A_837 = tpu.vector_load %arg6[%get3A_835, %get3A_836] {strides = array<i32>} : memref<512x16xf32, #tpu.memory_space<vmem>>, vector<16xf32>,
      %add3A_838 = arith.addf %add3A_832, %get3A_837 : vector<16xf32>
      %add3A_839 = arith.constant 336 : i32
      %add3A_840 = arith.addi %add3A_839, %scan3A_716 : i32
      %get3A_841 = arith.index_cast %add3A_840 : i32 to index
      %get3A_842 = arith.constant 0 : index
      %get3A_843 = tpu.vector_load %arg6[%get3A_841, %get3A_842] {strides = array<i32>} : memref<512x16xf32, #tpu.memory_space<vmem>>, vector<16xf32>,
      %add3A_844 = arith.addf %add3A_838, %get3A_843 : vector<16xf32>
      %add3A_845 = arith.constant 352 : i32
      %add3A_846 = arith.addi %add3A_845, %scan3A_716 : i32
      %get3A_847 = arith.index_cast %add3A_846 : i32 to index
      %get3A_848 = arith.constant 0 : index
      %get3A_849 = tpu.vector_load %arg6[%get3A_847, %get3A_848] {strides = array<i32>} : memref<512x16xf32, #tpu.memory_space<vmem>>, vector<16xf32>,
      %add3A_850 = arith.addf %add3A_844, %get3A_849 : vector<16xf32>
      %add3A_851 = arith.constant 368 : i32
      %add3A_852 = arith.addi %add3A_851, %scan3A_716 : i32
      %get3A_853 = arith.index_cast %add3A_852 : i32 to index
      %get3A_854 = arith.constant 0 : index
      %get3A_855 = tpu.vector_load %arg6[%get3A_853, %get3A_854] {strides = array<i32>} : memref<512x16xf32, #tpu.memory_space<vmem>>, vector<16xf32>,
      %add3A_856 = arith.addf %add3A_850, %get3A_855 : vector<16xf32>
      %add3A_857 = arith.constant 384 : i32
      %add3A_858 = arith.addi %add3A_857, %scan3A_716 : i32
      %get3A_859 = arith.index_cast %add3A_858 : i32 to index
      %get3A_860 = arith.constant 0 : index
      %get3A_861 = tpu.vector_load %arg6[%get3A_859, %get3A_860] {strides = array<i32>} : memref<512x16xf32, #tpu.memory_space<vmem>>, vector<16xf32>,
      %add3A_862 = arith.addf %add3A_856, %get3A_861 : vector<16xf32>
      %add3A_863 = arith.constant 400 : i32
      %add3A_864 = arith.addi %add3A_863, %scan3A_716 : i32
      %get3A_865 = arith.index_cast %add3A_864 : i32 to index
      %get3A_866 = arith.constant 0 : index
      %get3A_867 = tpu.vector_load %arg6[%get3A_865, %get3A_866] {strides = array<i32>} : memref<512x16xf32, #tpu.memory_space<vmem>>, vector<16xf32>,
      %add3A_868 = arith.addf %add3A_862, %get3A_867 : vector<16xf32>
      %add3A_869 = arith.constant 416 : i32
      %add3A_870 = arith.addi %add3A_869, %scan3A_716 : i32
      %get3A_871 = arith.index_cast %add3A_870 : i32 to index
      %get3A_872 = arith.constant 0 : index
      %get3A_873 = tpu.vector_load %arg6[%get3A_871, %get3A_872] {strides = array<i32>} : memref<512x16xf32, #tpu.memory_space<vmem>>, vector<16xf32>,
      %add3A_874 = arith.addf %add3A_868, %get3A_873 : vector<16xf32>
      %add3A_875 = arith.constant 432 : i32
      %add3A_876 = arith.addi %add3A_875, %scan3A_716 : i32
      %get3A_877 = arith.index_cast %add3A_876 : i32 to index
      %get3A_878 = arith.constant 0 : index
      %get3A_879 = tpu.vector_load %arg6[%get3A_877, %get3A_878] {strides = array<i32>} : memref<512x16xf32, #tpu.memory_space<vmem>>, vector<16xf32>,
      %add3A_880 = arith.addf %add3A_874, %get3A_879 : vector<16xf32>
      %add3A_881 = arith.constant 448 : i32
      %add3A_882 = arith.addi %add3A_881, %scan3A_716 : i32
      %get3A_883 = arith.index_cast %add3A_882 : i32 to index
      %get3A_884 = arith.constant 0 : index
      %get3A_885 = tpu.vector_load %arg6[%get3A_883, %get3A_884] {strides = array<i32>} : memref<512x16xf32, #tpu.memory_space<vmem>>, vector<16xf32>,
      %add3A_886 = arith.addf %add3A_880, %get3A_885 : vector<16xf32>
      %add3A_887 = arith.constant 464 : i32
      %add3A_888 = arith.addi %add3A_887, %scan3A_716 : i32
      %get3A_889 = arith.index_cast %add3A_888 : i32 to index
      %get3A_890 = arith.constant 0 : index
      %get3A_891 = tpu.vector_load %arg6[%get3A_889, %get3A_890] {strides = array<i32>} : memref<512x16xf32, #tpu.memory_space<vmem>>, vector<16xf32>,
      %add3A_892 = arith.addf %add3A_886, %get3A_891 : vector<16xf32>
      %add3A_893 = arith.constant 480 : i32
      %add3A_894 = arith.addi %add3A_893, %scan3A_716 : i32
      %get3A_895 = arith.index_cast %add3A_894 : i32 to index
      %get3A_896 = arith.constant 0 : index
      %get3A_897 = tpu.vector_load %arg6[%get3A_895, %get3A_896] {strides = array<i32>} : memref<512x16xf32, #tpu.memory_space<vmem>>, vector<16xf32>,
      %add3A_898 = arith.addf %add3A_892, %get3A_897 : vector<16xf32>
      %add3A_899 = arith.constant 496 : i32
      %add3A_900 = arith.addi %add3A_899, %scan3A_716 : i32
      %get3A_901 = arith.index_cast %add3A_900 : i32 to index
      %get3A_902 = arith.constant 0 : index
      %get3A_903 = tpu.vector_load %arg6[%get3A_901, %get3A_902] {strides = array<i32>} : memref<512x16xf32, #tpu.memory_space<vmem>>, vector<16xf32>,
      %add3A_904 = arith.addf %add3A_898, %get3A_903 : vector<16xf32>
      %mul3A_905 = arith.constant 16 : i32
      %mul3A_906 = arith.muli %scan3A_716, %mul3A_905 : i32
      %get3A_907 = arith.index_cast %mul3A_906 : i32 to index
      %get3A_908 = tpu.vector_load %arg8[%get3A_907] {strides = array<i32>} : memref<256xi32, #tpu.memory_space<vmem>>, vector<16xi32>,
      %gather3A = tpu.vector_load_idx %arg9[%get3A_908] : memref<16xf32, #tpu.memory_space<vmem>>[vector<16xi32>], vector<16xf32>,
      %add3A_909 = arith.addf %add3A_904, %gather3A : vector<16xf32>
      %swap3A = arith.index_cast %scan3A_716 : i32 to index
      %swap3A_910 = arith.constant 0 : index
      %swap3A_911 = tpu.vector_load %arg7[%swap3A, %swap3A_910] {strides = array<i32>} : memref<16x16xf32, #tpu.memory_space<vmem>>, vector<16xf32>,
      tpu.vector_store %arg7[%swap3A, %swap3A_910], %add3A_909 {strides = array<i32>} : memref<16x16xf32, #tpu.memory_space<vmem>>, vector<16xf32>,
    }
    %scan3A_715 = arith.constant 16 : i32
    "tpu.region"() ({
      %run_scoped3A = tpu.sem_alloc : memref<!tpu.dma_semaphore, #tpu.memory_space<semaphore_mem>>
      %dma_start3A_716 = arith.constant 0 : i32
      %dma_start3A_717 = tpu.memref_slice %arg5[%mul3A_2, %dma_start3A_716] : memref<512x16xf32, #tpu.memory_space<hbm>> -> memref<16x16xf32, #tpu.memory_space<hbm>>
      %dma_start3A_718 = arith.constant 0 : i32
      %dma_start3A_719 = tpu.memref_slice %arg5[%mul3A_2, %dma_start3A_718] : memref<512x16xf32, #tpu.memory_space<hbm>> -> memref<16x16xf32, #tpu.memory_space<hbm>>
      tpu.enqueue_dma source(%arg7 : memref<16x16xf32, #tpu.memory_space<vmem>>) target(%dma_start3A_719 : memref<16x16xf32, #tpu.memory_space<hbm>>) target_semaphore(%run_scoped3A : memref<!tpu.dma_semaphore, #tpu.memory_space<semaphore_mem>>)
      %dma_wait3A_720 = arith.constant 0 : i32
      %dma_wait3A_721 = tpu.memref_slice %arg5[%mul3A_2, %dma_wait3A_720] : memref<512x16xf32, #tpu.memory_space<hbm>> -> memref<16x16xf32, #tpu.memory_space<hbm>>
      %dma_wait3A_722 = arith.constant 0 : i32
      %dma_wait3A_723 = tpu.memref_slice %arg5[%mul3A_2, %dma_wait3A_722] : memref<512x16xf32, #tpu.memory_space<hbm>> -> memref<16x16xf32, #tpu.memory_space<hbm>>
      tpu.wait_dma2 semaphore(%run_scoped3A : memref<!tpu.dma_semaphore, #tpu.memory_space<semaphore_mem>>) src(%arg7 : memref<16x16xf32, #tpu.memory_space<vmem>>) dst(%dma_wait3A_723 : memref<16x16xf32, #tpu.memory_space<hbm>>)
      tpu.yield
    }) : () -> ()
    return
  }
}

</mosaic_0001>

<sc_bundles>
// kernel: kernel.4.cloned.1.call-start
scs
__scs_entry_jumppad:
0x0: {  	(pc) =	sbr.rel $0x88, $3  }
0x1: {  	(tag) =	ssettag $0x0;
	lr =	simm.s32 $0x1  }
0x2: {  	[smem:$0x3F9B] =	sst lr;
	_ =	strace $0xD0000000  }
0x3: {  	_ = 	snop  }
0x4: {  	_ = 	snop  }
0x5: {  	_ = 	snop  }
0x6: {  	_ = 	snop  }
0x7: {  	_ = 	snop  }
__scs_overlays_trampoline_lowered:
0x8: {  	[smem:$0x3FAA] =	sst s0  }
0x9: {  	[smem:$0x3FAB] =	sst s1  }
0xa: {  	[smem:$0x3FAC] =	sst s2  }
0xb: {  	[smem:$0x3FAD] =	sst s3  }
0xc: {  	[smem:$0x3FAE] =	sst s4  }
0xd: {  	[smem:$0x3FAF] =	sst s5  }
0xe: {  	[smem:$0x3FB0] =	sst s6  }
0xf: {  	[smem:$0x3FB1] =	sst s7  }
0x10: {  	[smem:$0x3FB2] =	sst s8  }
0x11: {  	[smem:$0x3FB3] =	sst s9;
	s0 =	simm.s32 @!p0 $0x0  }
0x12: {  	s1 =	sld [smem:$0x3F99];
	s0 =	simm.s32 @p0 $0x1  }
0x13: {  	[smem:$0x3FB4] =	sst s0;
	s0 =	simm.s32 @!p1 $0x0  }
0x14: {  	s2 =	sld [smem:$0x3F98];
	s0 =	simm.s32 @p1 $0x1  }
0x15: {  	[smem:$0x3FB5] =	sst s0;
	s0 =	simm.s32 @!p2 $0x0  }
0x16: {  	s3 =	sld [smem:$0x3FDB];
	s0 =	simm.s32 @p2 $0x1  }
0x17: {  	s4 =	simm.s32 $0x1BF5;
	[smem:$0x3FB7] =	sst s0  }
0x18: {  	s0 =	sld [smem:$0x3F9A];
	_ =	swait.ge [sflag:s4], $0x0  }
0x19: {  	s7 =	sld [smem:$0x3F9B]  }
0x1a: {  	s8 =	sadd.s32 $0xFFFFE003, lr  }
0x1b: {  	s9 =	sadd.s32 $0xFFFFFEF7, lr;
	s5 =	simm.s32 $0xFFFFFFFF;
	p2 =	slt.u32 s8, $0xFFFFF086  }
0x1c: {  	p1 =	slt.u32 s9, $0xF7A;
	s5 =	simm.s32 @!p2 $0x0  }
0x1d: {  	s5 =	simm.s32 @p1 $0x1;
	p0 =	seq.s32 s7, s2  }
0x1e: {  	s7 =	smul.u32 @!p0 $0xF7A, s2;
	p2 =	seq.s32 @!p0 s5, $0x0  }
0x1f: {  	s9 =	smul.u32 $0xF7A, s1;
	s8 =	simm.s32 @!p0 $0x1BF5;
	p2 =	por !p2, p0  }
0x20: {  	[sflag:s8] =	ssyncset.s32 @!p0 $0xFFFFF086;
	s6 =	sadd.s32 @!p0 s3, s7;
	s7 =	simm.s32 @!p0 $0x108  }
0x21: {  	s3 =	sadd.s32 s3, s9;
	s6 =	sadd.s32 @!p0 $0x88, s6;
	s7 =	simm.s32 @p2 $0x1082  }
0x22: {  	[simem:s7], [sflag:s8] =	dma.local @!p0 [hbm:s6], $0xF7A  }
0x23: {  	s9 =	sor.u32 $0xD0000000, s2;
	s6 =	simm.s32 $0x108;
	_ =	swait.ge @!p0 [sflag:s8], $0x0  }
0x24: {  	s3 =	sadd.s32 $0x88, s3;
	s6 =	simm.s32 @!p1 $0x1082;
	[sflag:s4] =	ssyncset.s32 $0xFFFFF086  }
0x25: {  	[simem:s6], [sflag:s4] =	dma.local [hbm:s3], $0xF7A  }
0x26: {  	[smem:$0x3F9B] =	sst s1;
	(tag) =	ssettag s2;
	_ =	strace s9  }
0x27: {  	s1 =	sld [smem:$0x3FAB]  }
0x28: {  	s2 =	sld [smem:$0x3FAC]  }
0x29: {  	s4 =	sld [smem:$0x3FAE]  }
0x2a: {  	p0 =	seq.s32 s5, $0x0;
	s5 =	sld [smem:$0x3FAF]  }
0x2b: {  	s6 =	sld [smem:$0x3FB0]  }
0x2c: {  	s7 =	sld [smem:$0x3FB1]  }
0x2d: {  	s3 =	simm.s32 $0x108;
	s8 =	sld [smem:$0x3FB2]  }
0x2e: {  	s3 =	simm.s32 @!p0 $0x1082;
	s9 =	sld [smem:$0x3FB3]  }
0x2f: {  	lr =	sadd.s32 s0, s3;
	s0 =	sld [smem:$0x3FAA]  }
0x30: {  	s3 =	sld [smem:$0x3FAD]  }
0x31: {  	[smem:$0x3FB6] =	sst s10  }
0x32: {  	s10 =	sld [smem:$0x3FB4];
	_ =	sdelay $0x3  }
0x33: {  	p0 =	seq.s32 s10, $0x1;
	s10 =	sld [smem:$0x3FB6];
	_ =	sdelay $0x3  }
0x34: {  	[smem:$0x3FB6] =	sst s10  }
0x35: {  	s10 =	sld [smem:$0x3FB5];
	_ =	sdelay $0x3  }
0x36: {  	p1 =	seq.s32 s10, $0x1;
	s10 =	sld [smem:$0x3FB6];
	_ =	sdelay $0x3  }
0x37: {  	[smem:$0x3FB6] =	sst s10  }
0x38: {  	s10 =	sld [smem:$0x3FB7]  }
0x39: {  	_ = 	snop;
	(pc) =	sbr.ind lr, $3  }
0x3a: {  	_ = 	snop  }
0x3b: {  	_ = 	snop  }
0x3c: {  	p2 =	seq.s32 s10, $0x1;
	s10 =	sld [smem:$0x3FB6]  }
0x3d: {  	_ =	shalt  }
0x3e: {  	_ =	shalt  }
0x3f: {  	_ =	shalt  }
0x40: {  	_ =	shalt  }
0x41: {  	_ =	shalt  }
0x42: {  	_ =	shalt  }
0x43: {  	_ =	shalt  }
0x44: {  	_ =	shalt  }
0x45: {  	_ =	shalt  }
0x46: {  	_ =	shalt  }
0x47: {  	_ =	shalt  }
0x48: {  	_ =	shalt  }
0x49: {  	_ =	shalt  }
0x4a: {  	_ =	shalt  }
0x4b: {  	_ =	shalt  }
0x4c: {  	_ =	shalt  }
0x4d: {  	_ =	shalt  }
0x4e: {  	_ =	shalt  }
0x4f: {  	_ =	shalt  }
0x50: {  	_ =	shalt  }
0x51: {  	_ =	shalt  }
0x52: {  	_ =	shalt  }
0x53: {  	_ =	shalt  }
0x54: {  	_ =	shalt  }
0x55: {  	_ =	shalt  }
0x56: {  	_ =	shalt  }
0x57: {  	_ =	shalt  }
0x58: {  	_ =	shalt  }
0x59: {  	_ =	shalt  }
0x5a: {  	_ =	shalt  }
0x5b: {  	_ =	shalt  }
0x5c: {  	_ =	shalt  }
0x5d: {  	_ =	shalt  }
0x5e: {  	_ =	shalt  }
0x5f: {  	_ =	shalt  }
0x60: {  	_ =	shalt  }
0x61: {  	_ =	shalt  }
0x62: {  	_ =	shalt  }
0x63: {  	_ =	shalt  }
0x64: {  	_ =	shalt  }
0x65: {  	_ =	shalt  }
0x66: {  	_ =	shalt  }
0x67: {  	_ =	shalt  }
0x68: {  	_ =	shalt  }
0x69: {  	_ =	shalt  }
0x6a: {  	_ =	shalt  }
0x6b: {  	_ =	shalt  }
0x6c: {  	_ =	shalt  }
0x6d: {  	_ =	shalt  }
0x6e: {  	_ =	shalt  }
0x6f: {  	_ =	shalt  }
0x70: {  	_ =	shalt  }
0x71: {  	_ =	shalt  }
0x72: {  	_ =	shalt  }
0x73: {  	_ =	shalt  }
0x74: {  	_ =	shalt  }
0x75: {  	_ =	shalt  }
0x76: {  	_ =	shalt  }
0x77: {  	_ =	shalt  }
0x78: {  	_ =	shalt  }
0x79: {  	_ =	shalt  }
0x7a: {  	_ =	shalt  }
0x7b: {  	_ =	shalt  }
0x7c: {  	_ =	shalt  }
0x7d: {  	_ =	shalt  }
0x7e: {  	_ =	shalt  }
0x7f: {  	_ =	shalt  }
0x80: {  	_ =	shalt  }
0x81: {  	_ =	shalt  }
0x82: {  	_ =	shalt  }
0x83: {  	_ =	shalt  }
0x84: {  	_ =	shalt  }
0x85: {  	_ =	shalt  }
0x86: {  	_ =	shalt  }
0x87: {  	_ =	shalt  }
.Lfunc_end0:
.L_simem_size_0:
called_computation_lowered:
.L_overlay_start_0:
0x88: {  	s2 =	sld [smem:$0x3FD9]  }
0x89: {  	s3 =	sld [smem:$0x3FFE];
	_ =	sdelay $0x1  }
0x8a: {  	s1 =	srdreg.scid  }
0x8b: {  	s0 =	sand.u32 $0x1, s1  }
0x8c: {  	s17 =	sshll.u32 s0, $0xA;
	s2 =	sadd.s32 s3, s2  }
0x8d: {  	s2 =	sadd.s32 s2, s17  }
0x8e: {  	[smem:$0x3FC2] =	sst s2  }
0x8f: {  	_ = 	snop  }
0x90: {  	s2 =	sld [smem:$0x3FC9]  }
0x91: {  	s18 =	sld [smem:$0x3FD0];
	(tm) =	ssettm $0x1  }
0x92: {  	s4 =	sld [smem:$0x3FFB];
	_ =	sdelay $0x3  }
0x93: {  	_ =	strace s4  }
0x94: {  	s4 =	sld [smem:$0x3FFC];
	_ =	sdelay $0x3  }
0x95: {  	_ =	strace s4  }
0x96: {  	s4 =	sld [smem:$0x3FFD];
	_ =	sdelay $0x3  }
0x97: {  	_ =	strace s4  }
0x98: {  	_ =	strace $0x8FFFFFFF  }
0x99: {  	s19 =	sld [smem:$0x3FDB];
	_ =	sdelay $0x1  }
0x9a: {  	s5 =	simm.s32 $_scs_section_size  }
0x9b: {  	s6 =	simm.s32 $_size__tile_overlayer_lowered;
	s7 =	simm.s32 $_tile_overlayer_lowered  }
0x9c: {  	s22 =	simm.s32 $0x1BFF;
	s21 =	sshll.u32 s7, $0x1;
	s4 =	sadd.s32 s5, s19  }
0x9d: {  	s8 =	simm.s32 $0x0;
	s20 =	sshll.u32 s6, $0x1;
	s6 =	sadd.s32 s21, s4  }
0x9e: {  	[timem:s8], [sflag:s22] =	dma.local [hbm:s6], s20  }
0x9f: {  	_ =	swait.ge [sflag:s22], s20  }
0xa0: {  	s5 =	ssub.s32 $0x0, s20;
	[sflag:s22] =	ssyncset.done $0x0  }
0xa1: {  	[sflag:s22] =	ssyncadd.s32 s5;
	_ =	sdelay $0x1  }
0xa2: {  	s23 =	simm.s32 $0x1B8B  }
0xa3: {  	_ =	swait.ge [sflag:s23], $0x1  }
0xa4: {  	[sflag:s23] =	ssyncset.done $0x0  }
0xa5: {  	s25 =	simm.s32 $0x1B8E;
	s24 =	sld [smem:$0x3FFE];
	[sflag:s23] =	ssyncadd.s32 $0xFFFFFFFF  }
0xa6: {  	s26 =	simm.s32 $execute0_lowered;
	[smem:$0x3FD2] =	sst s25  }
0xa7: {  	s6 =	sshll.u32 s26, $0x1;
	_ =	strace $0x80000046;
	[dreg:$0x1] =	wrdreg $0xFFFFFFFF  }
0xa8: {  	s28 =	simm.s32 $_size_execute0_lowered;
	s4 =	sadd.s32 s4, s6;
	[dreg:$0x0] =	wrdreg $0x0  }
0xa9: {  	s6 =	sshll.u32 s28, $0x1;
	[dreg:$0x2] =	wrdreg s4  }
0xaa: {  	[dreg:$0x3] =	wrdreg s6  }
0xab: {  	[dreg:$0x4] =	wrdreg $0xC0  }
0xac: {  	_ =	task [dreg:s8], $0x5FFFF  }
0xad: {  	[dreg:$0x1] =	wrdreg $0xFFFFFFFF  }
0xae: {  	[dreg:$0x0] =	wrdreg $0x60  }
0xaf: {  	[dreg:$0x2] =	wrdreg s24  }
0xb0: {  	[dreg:$0x3] =	wrdreg s2  }
0xb1: {  	[dreg:$0x4] =	wrdreg s18  }
0xb2: {  	[dreg:$0x5] =	wrdreg $0x9  }
0xb3: {  	_ =	task.clear_ibuf [dreg:s8], $0x6FFFF;
	_ =	strace $0x90000046  }
0xb4: {  	s29 =	simm.s32 $0x9;
	_ =	strace $0x80000048  }
0xb5: {  	_ =	swait.ge [sflag:s29], $0x1  }
0xb6: {  	[sflag:s29] =	ssyncadd.s32 $0xFFFFFFFF  }
0xb7: {  	_ =	strace $0x90000048  }
0xb8: {  	_ =	sfence  }
0xb9: {  	s30 =	sld [smem:$0x0];
	_ =	sdelay $0x2  }
0xba: {  	s31 =	sshll.u32 s1, $0xD;
	s1 =	sshrl.u32 s1, $0x2  }
0xbb: {  	s3 =	sand.u32 $0x4000, s31;
	s1 =	sadd.s32 s1, s30  }
0xbc: {  	s0 =	sor.u32 s3, s0;
	s1 =	sshll.u32 s1, $0x11  }
0xbd: {  	s0 =	sor.u32 s1, s0  }
0xbe: {  	s0 =	sadd.s32 $0x8F2B, s0  }
0xbf: {  	[sflag:s0] =	ssyncadd.remote.s32 $0x1  }
0xc0: {  	_ =	sfence.sel $0xFFFF  }
0xc1: {  	[dreg:$0x0] =	wrdreg $0xFFFFFFFF;
	(pc) =	sbr.abs _section_cstart, $3  }
0xc2: {  	[dreg:$0x1] =	wrdreg $0xFFFFFFFF  }
0xc3: {  	_ =	task.clear_ibuf [dreg:s8], $0x2FFFF;
	_ =	strace $0x9FFFFFFF  }
0xc4: {  	(tm) =	ssettm $0x7FFFFFFF  }
0xc5: {  	_ =	shalt  }
tec
execute0_lowered:
.L_overlay_start_1:
0x0: {  	(tag) =	ssettag $0x1  }
0x1: {  	s6 =	rddreg [dreg:$0x0]  }
0x2: {  	s2 =	rddreg [dreg:$0x1]  }
0x3: {  	s3 =	rddreg [dreg:$0x2]  }
0x4: {  	s0 =	rddreg [dreg:$0x3]  }
0x5: {  	s5 =	srdreg.scid;
	s1 =	stileid.u32;
	s4 =	simm.s32 $0x0  }
0x6: {  	s11 =	simm.s32 $0x4000;
	s12 =	simm.s32 $0x6000;
	s13 =	simm.s32 $0x6180  }
0x7: {  	s14 =	simm.s32 $0x1;
	s15 =	simm.s32 $0x2;
	s16 =	simm.s32 $0x0  }
0x8: {  	s5 =	sand.u32 $0x1, s5;
	s7 =	sshll.u32 s1, $0x1;
	[smem:$0x7FF] =	sst s4  }
0x9: {  	s7 =	sor.u32 s5, s7;
	_ =	strace $0x80000047;
	s9 =	ssub.s32 $0x2, s5  }
0xa: {  	s5 =	sadd.s32 $0x10A00, s6;
	s8 =	sshll.u32 s7, $0xA;
	s7 =	sshll.u32 s7, $0xD  }
0xb: {  	s31 =	sshrl.u32 s9, $0x1;
	s8 =	sadd.s32 s8, s6;
	s10 =	sadd.s32 s7, s6  }
0xc: {  	s9 =	ssub.s32 s9, s31;
	s6 =	sadd.s32 $0xA00, s8;
	s7 =	sadd.s32 $0x8A00, s8  }
0xd: {  	s8 =	sadd.s32 $0x12A00, s10;
	s9 =	smax.u32 s9, $0x1;
	s10 =	simm.s32 $0x2000  }
.LBB2_1:
0xe: {  	[tilespmem:s4], [sflag:$0x1] =	stream.linear.gather [hbm4b:s6+s4], $0x2000, $0x38;
	[tilespmem:$0x16180] =	vst v63  }
0xf: {  	_ = 	snop  }
0x10: {  	[tilespmem:s10], [sflag:$0x1] =	stream.linear.gather [hbm4b:s7+s4], $0x2000, $0x38;
	[tilespmem:$0x16180] =	vst v63  }
0x11: {  	_ = 	snop  }
0x12: {  	[tilespmem:s11], [sflag:$0x1] =	stream.linear.gather [hbm4b:s2+s4], $0x2000, $0x38;
	[tilespmem:$0x16180] =	vst v63  }
0x13: {  	_ = 	snop  }
0x14: {  	[tilespmem:s12], [sflag:$0x1] =	stream.linear.gather [hbm4b:s3+s4], $0x180, $0x38;
	[tilespmem:$0x16180] =	vst v63  }
0x15: {  	_ = 	snop  }
0x16: {  	[tilespmem:s13], [sflag:$0x1] =	stream.linear.gather [hbm4b:s5+s4], $0x10000, $0x38;
	[tilespmem:$0x16180] =	vst v63  }
0x17: {  	_ =	swait.ge [sflag:s14], $0x2000  }
0x18: {  	[sflag:s14] =	ssyncset.done $0x0  }
0x19: {  	[sflag:s14] =	ssyncadd.s32 $0xFFFFE000  }
0x1a: {  	_ =	swait.ge [sflag:s14], $0x2000  }
0x1b: {  	[sflag:s14] =	ssyncset.done $0x0  }
0x1c: {  	[sflag:s14] =	ssyncadd.s32 $0xFFFFE000  }
0x1d: {  	_ =	swait.ge [sflag:s14], $0x2000  }
0x1e: {  	[sflag:s14] =	ssyncset.done $0x0  }
0x1f: {  	[sflag:s14] =	ssyncadd.s32 $0xFFFFE000  }
0x20: {  	_ =	swait.ge [sflag:s14], $0x180  }
0x21: {  	[sflag:s14] =	ssyncset.done $0x0  }
0x22: {  	[sflag:s14] =	ssyncadd.s32 $0xFFFFFE80  }
0x23: {  	_ =	swait.ge [sflag:s14], $0x10000  }
0x24: {  	[sflag:s14] =	ssyncset.done $0x0  }
0x25: {  	s18 =	simm.s32 $0x2040;
	[sflag:s14] =	ssyncadd.s32 $0xFFFF0000  }
0x26: {  	s17 =	simm.s32 $0x40;
	v0 =	vld [tilespmem:s18+$0x30]  }
0x27: {  	v1 =	vld [tilespmem:s17+$0x30]  }
0x28: {  	v2 =	vld [tilespmem:s18+$0xFFFFFFC0]  }
0x29: {  	v3 =	vld [tilespmem:s18+$0xFFFFFFD0]  }
0x2a: {  	v4 =	vld [tilespmem:s18+$0xFFFFFFE0]  }
0x2b: {  	v5 =	vld [tilespmem:s18+$0xFFFFFFF0]  }
0x2c: {  	v9 =	vld [tilespmem:s18+$0x20]  }
0x2d: {  	v10 =	vld [tilespmem:s17+$0xFFFFFFD0]  }
0x2e: {  	v12 =	vld [tilespmem:s17+$0xFFFFFFF0]  }
0x2f: {  	v16 =	vld [tilespmem:s17+$0xFFFFFFC0]  }
0x30: {  	v14 =	vld [tilespmem:s17+$0x0];
	v0 =	vtrunc.f32 v0  }
0x31: {  	v15 =	vld [tilespmem:s17+$0x10];
	v7 =	vand.u32 $0x1FFF, v1;
	v0 =	vcvt.f32.s32 v0  }
0x32: {  	v50 =	vld [tilespmem:s17+$0x20]  }
0x33: {  	v6 =	vld [tilespmem:s18+$0x0];
	v52 =	vand.u32 $0x1FFF, v10  }
0x34: {  	v8 =	vld [tilespmem:s18+$0x10];
	v2 =	vtrunc.f32 v2;
	v3 =	vtrunc.f32 v3;
	v18 =	vand.u32 $0x1FFF, v16  }
0x35: {  	v11 =	vld [tilespmem:s17+$0xFFFFFFE0];
	v4 =	vtrunc.f32 v4;
	v13 =	vshrl.u32 v1, $0xD;
	v20 =	vand.u32 $0x1FFF, v12  }
0x36: {  	v1 =	vshrl.u32 v1, $0xA;
	v5 =	vtrunc.f32 v5;
	v22 =	vand.u32 $0x1FFF, v14;
	v7 =	vld.idx.msk [tilespmem:v7+s11+$0x0], $0xffff  }
0x37: {  	v9 =	vtrunc.f32 v9;
	v24 =	vand.u32 $0x1FFF, v15;
	v25 =	vand.u32 $0x1FFF, v50;
	v0 =	vld.idx.msk [tilespmem:v0+s12+$0x0], $0xffff  }
0x38: {  	v13 =	vand.u32 $0xF, v13;
	v1 =	vand.u32 $0x3FFF80, v1;
	v51 =	vcvt.f32.s32 v9;
	v9 =	vld.idx.msk [tilespmem:v52+s11+$0x0], $0xffff  }
0x39: {  	v6 =	vtrunc.f32 v6;
	v3 =	vcvt.f32.s32 v3;
	v1 =	vor.u32 v13, v1;
	v18 =	vld.idx.msk [tilespmem:v18+s11+$0x0], $0xffff  }
0x3a: {  	v8 =	vtrunc.f32 v8;
	v17 =	vshrl.u32 v10, $0xD;
	v2 =	vcvt.f32.s32 v2;
	v56 =	vld.idx.msk [tilespmem:v20+s11+$0x0], $0xffff  }
0x3b: {  	v54 =	vshrl.u32 v11, $0xD;
	v19 =	vshrl.u32 v12, $0xD;
	v4 =	vcvt.f32.s32 v4;
	v58 =	vld.idx.msk [tilespmem:v22+s11+$0x0], $0xffff  }
0x3c: {  	v12 =	vshrl.u32 v12, $0xA;
	v8 =	vcvt.f32.s32 v8;
	v60 =	vld.idx.msk [tilespmem:v24+s11+$0x0], $0xffff;
	v0 =	vmul.f32 v7, v0  }
0x3d: {  	v21 =	vshrl.u32 v14, $0xD;
	v14 =	vshrl.u32 v14, $0xA;
	v23 =	vshrl.u32 v15, $0xD;
	v62 =	vld.idx.msk [tilespmem:v25+s11+$0x0], $0xffff  }
0x3e: {  	v15 =	vshrl.u32 v15, $0xA;
	v5 =	vcvt.f32.s32 v5;
	[tilespmem:v1+s13+$0x0] =	vst.idx.add.f32.msk $0xffff, v0;
	v1 =	vand.u32 $0x1FFF, v11  }
0x3f: {  	v26 =	vshrl.u32 v16, $0xD;
	v16 =	vshrl.u32 v16, $0xA;
	v6 =	vcvt.f32.s32 v6;
	v3 =	vld.idx.msk [tilespmem:v3+s12+$0x0], $0xffff  }
0x40: {  	v53 =	vand.u32 $0xF, v17;
	v26 =	vand.u32 $0xF, v26;
	v16 =	vand.u32 $0x3FFF80, v16;
	v2 =	vld.idx.msk [tilespmem:v2+s12+$0x0], $0xffff  }
0x41: {  	v17 =	vand.u32 $0xF, v54;
	v55 =	vand.u32 $0xF, v19;
	v4 =	vld.idx.msk [tilespmem:v4+s12+$0x0], $0xffff;
	v0 =	vshrl.u32 v10, $0xA  }
0x42: {  	v59 =	vand.u32 $0xF, v23;
	v16 =	vor.u32 v26, v16;
	v8 =	vld.idx.msk [tilespmem:v8+s12+$0x0], $0xffff;
	v0 =	vand.u32 $0x3FFF80, v0  }
0x43: {  	v61 =	vand.u32 $0x3FFF80, v15;
	v11 =	vshrl.u32 v11, $0xA;
	v0 =	vor.u32 v53, v0;
	v1 =	vld.idx.msk [tilespmem:v1+s11+$0x0], $0xffff  }
0x44: {  	v5 =	vld.idx.msk [tilespmem:v5+s12+$0x0], $0xffff;
	v3 =	vmul.f32 v9, v3;
	v9 =	vor.u32 v59, v61;
	v11 =	vand.u32 $0x3FFF80, v11  }
0x45: {  	v12 =	vand.u32 $0x3FFF80, v12;
	v6 =	vld.idx.msk [tilespmem:v6+s12+$0x0], $0xffff;
	v2 =	vmul.f32 v18, v2;
	v11 =	vor.u32 v17, v11  }
0x46: {  	v57 =	vand.u32 $0xF, v21;
	v14 =	vand.u32 $0x3FFF80, v14;
	v7 =	vld.idx.msk [tilespmem:v51+s12+$0x0], $0xffff;
	v10 =	vor.u32 v55, v12  }
0x47: {  	v14 =	vor.u32 v57, v14;
	v63 =	vmul.f32 v60, v8;
	[tilespmem:v16+s13+$0x0] =	vst.idx.add.f32.msk $0xffff, v2  }
0x48: {  	[tilespmem:v0+s13+$0x0] =	vst.idx.add.f32.msk $0xffff, v3;
	v0 =	vmul.f32 v1, v4  }
0x49: {  	[tilespmem:v9+s13+$0x0] =	vst.idx.add.f32.msk $0xffff, v63;
	v1 =	vmul.f32 v56, v5  }
0x4a: {  	v2 =	vshrl.u32 v50, $0xD;
	v3 =	vshrl.u32 v50, $0xA;
	[tilespmem:v11+s13+$0x0] =	vst.idx.add.f32.msk $0xffff, v0;
	v0 =	vmul.f32 v58, v6  }
0x4b: {  	[tilespmem:v10+s13+$0x0] =	vst.idx.add.f32.msk $0xffff, v1;
	v1 =	vand.u32 $0xF, v2;
	v2 =	vand.u32 $0x3FFF80, v3  }
0x4c: {  	s19 =	simm.s32 $0x20C0;
	s18 =	simm.s32 $0x0;
	[tilespmem:v14+s13+$0x0] =	vst.idx.add.f32.msk $0xffff, v0;
	v0 =	vor.u32 v1, v2;
	v1 =	vmul.f32 v62, v7  }
.LBB2_2:
0x4d: {  	v2 =	vld [tilespmem:s19+$0x30];
	s18 =	sadd.s32 $0x8, s18;
	s17 =	sadd.s32 $0x80, s17  }
0x4e: {  	v3 =	vld [tilespmem:s17+$0x30];
	p0 =	slt.u32 s18, $0x1F8  }
0x4f: {  	v4 =	vld [tilespmem:s19+$0xFFFFFFC0]  }
0x50: {  	v5 =	vld [tilespmem:s19+$0xFFFFFFD0]  }
0x51: {  	v6 =	vld [tilespmem:s19+$0xFFFFFFE0]  }
0x52: {  	v7 =	vld [tilespmem:s19+$0xFFFFFFF0];
	v2 =	vtrunc.f32 v2  }
0x53: {  	v8 =	vld [tilespmem:s19+$0x0];
	v2 =	vcvt.f32.s32 v2;
	v9 =	vand.u32 $0x1FFF, v3  }
0x54: {  	v4 =	vtrunc.f32 v4;
	v10 =	vld [tilespmem:s19+$0x10]  }
0x55: {  	v4 =	vcvt.f32.s32 v4;
	v5 =	vtrunc.f32 v5;
	v11 =	vld [tilespmem:s19+$0x20]  }
0x56: {  	v12 =	vld [tilespmem:s17+$0xFFFFFFD0];
	v5 =	vcvt.f32.s32 v5;
	v6 =	vtrunc.f32 v6  }
0x57: {  	v13 =	vld [tilespmem:s17+$0xFFFFFFE0];
	v6 =	vcvt.f32.s32 v6;
	v7 =	vtrunc.f32 v7  }
0x58: {  	v7 =	vcvt.f32.s32 v7;
	v8 =	vtrunc.f32 v8;
	v9 =	vld.idx.msk [tilespmem:v9+s11+$0x0], $0xffff  }
0x59: {  	v8 =	vcvt.f32.s32 v8;
	v10 =	vtrunc.f32 v10;
	v2 =	vld.idx.msk [tilespmem:v2+s12+$0x0], $0xffff  }
0x5a: {  	v15 =	vshrl.u32 v3, $0xD;
	v3 =	vshrl.u32 v3, $0xA;
	v14 =	vld [tilespmem:s17+$0xFFFFFFF0];
	v11 =	vtrunc.f32 v11  }
0x5b: {  	v15 =	vand.u32 $0xF, v15;
	v3 =	vand.u32 $0x3FFF80, v3;
	v10 =	vcvt.f32.s32 v10;
	v16 =	vld [tilespmem:s17+$0x0]  }
0x5c: {  	v3 =	vor.u32 v15, v3;
	v17 =	vand.u32 $0x1FFF, v12;
	v11 =	vcvt.f32.s32 v11;
	v18 =	vld [tilespmem:s17+$0x10]  }
0x5d: {  	v15 =	vshrl.u32 v12, $0xD;
	v12 =	vshrl.u32 v12, $0xA;
	v19 =	vand.u32 $0x1FFF, v13;
	v20 =	vld [tilespmem:s17+$0x20]  }
0x5e: {  	v15 =	vand.u32 $0xF, v15;
	v22 =	vshrl.u32 v13, $0xD;
	v13 =	vshrl.u32 v13, $0xA;
	v21 =	vld [tilespmem:s17+$0xFFFFFFC0]  }
0x5f: {  	v2 =	vmul.f32 v9, v2;
	v4 =	vld.idx.msk [tilespmem:v4+s12+$0x0], $0xffff;
	v23 =	vshrl.u32 v14, $0xD;
	v24 =	vand.u32 $0x1FFF, v14  }
0x60: {  	v9 =	vshrl.u32 v14, $0xA;
	v5 =	vld.idx.msk [tilespmem:v5+s12+$0x0], $0xffff;
	v14 =	vshrl.u32 v16, $0xD;
	v25 =	vand.u32 $0x1FFF, v16  }
0x61: {  	v16 =	vshrl.u32 v16, $0xA;
	v26 =	vshrl.u32 v18, $0xD;
	v27 =	vand.u32 $0x1FFF, v18;
	[tilespmem:v3+s13+$0x0] =	vst.idx.add.f32.msk $0xffff, v2  }
0x62: {  	v3 =	vshrl.u32 v18, $0xA;
	v2 =	vld.idx.msk [tilespmem:v6+s12+$0x0], $0xffff;
	v6 =	vshrl.u32 v20, $0xD;
	v18 =	vand.u32 $0x1FFF, v20  }
0x63: {  	v28 =	vshrl.u32 v21, $0xD;
	v29 =	vand.u32 $0x1FFF, v21;
	v21 =	vshrl.u32 v21, $0xA;
	v7 =	vld.idx.msk [tilespmem:v7+s12+$0x0], $0xffff  }
0x64: {  	v20 =	vshrl.u32 v20, $0xA;
	v28 =	vand.u32 $0xF, v28;
	v21 =	vand.u32 $0x3FFF80, v21;
	v8 =	vld.idx.msk [tilespmem:v8+s12+$0x0], $0xffff  }
0x65: {  	v12 =	vand.u32 $0x3FFF80, v12;
	v22 =	vand.u32 $0xF, v22;
	v13 =	vand.u32 $0x3FFF80, v13;
	v10 =	vld.idx.msk [tilespmem:v10+s12+$0x0], $0xffff  }
0x66: {  	v23 =	vand.u32 $0xF, v23;
	v9 =	vand.u32 $0x3FFF80, v9;
	v14 =	vand.u32 $0xF, v14;
	v11 =	vld.idx.msk [tilespmem:v11+s12+$0x0], $0xffff  }
0x67: {  	v16 =	vand.u32 $0x3FFF80, v16;
	v26 =	vand.u32 $0xF, v26;
	v3 =	vand.u32 $0x3FFF80, v3;
	v17 =	vld.idx.msk [tilespmem:v17+s11+$0x0], $0xffff  }
0x68: {  	v6 =	vand.u32 $0xF, v6;
	v20 =	vand.u32 $0x3FFF80, v20;
	v21 =	vor.u32 v28, v21;
	v29 =	vld.idx.msk [tilespmem:v29+s11+$0x0], $0xffff  }
0x69: {  	v12 =	vor.u32 v15, v12;
	v13 =	vor.u32 v22, v13;
	v9 =	vor.u32 v23, v9;
	v15 =	vld.idx.msk [tilespmem:v19+s11+$0x0], $0xffff  }
0x6a: {  	v14 =	vor.u32 v14, v16;
	v3 =	vor.u32 v26, v3;
	v6 =	vor.u32 v6, v20;
	v19 =	vld.idx.msk [tilespmem:v24+s11+$0x0], $0xffff  }
0x6b: {  	v16 =	vld.idx.msk [tilespmem:v25+s11+$0x0], $0xffff  }
0x6c: {  	v20 =	vld.idx.msk [tilespmem:v27+s11+$0x0], $0xffff  }
0x6d: {  	v5 =	vmul.f32 v17, v5;
	v17 =	vld.idx.msk [tilespmem:v18+s11+$0x0], $0xffff  }
0x6e: {  	v4 =	vmul.f32 v29, v4;
	[tilespmem:v0+s13+$0x0] =	vst.idx.add.f32.msk $0xffff, v1;
	v0 =	vmov v6  }
0x6f: {  	v1 =	vmul.f32 v15, v2;
	[tilespmem:v12+s13+$0x0] =	vst.idx.add.f32.msk $0xffff, v5  }
.Ltmp0:
0x70: {  	v2 =	vmul.f32 v19, v7;
	[tilespmem:v21+s13+$0x0] =	vst.idx.add.f32.msk $0xffff, v4;
	(pc) =	sbr.rel @p0 .LBB2_2-.Ltmp0, $4  }
0x71: {  	[tilespmem:v13+s13+$0x0] =	vst.idx.add.f32.msk $0xffff, v1;
	v1 =	vmul.f32 v16, v8  }
0x72: {  	[tilespmem:v9+s13+$0x0] =	vst.idx.add.f32.msk $0xffff, v2;
	v2 =	vmul.f32 v20, v10  }
0x73: {  	[tilespmem:v14+s13+$0x0] =	vst.idx.add.f32.msk $0xffff, v1;
	v1 =	vmul.f32 v17, v11  }
0x74: {  	s19 =	sadd.s32 $0x80, s19;
	[tilespmem:v3+s13+$0x0] =	vst.idx.add.f32.msk $0xffff, v2  }
0x75: {  	_ =	sdelay $0x1  }
0x76: {  	s16 =	sadd.s32 $0x1, s16  }
0x77: {  	p0 =	sne.s32 s16, s9  }
.Ltmp1:
0x78: {  	[tilespmem:v0+s13+$0x0] =	vst.idx.add.f32.msk $0xffff, v1;
	(pc) =	sbr.rel @p0 .LBB2_1-.Ltmp1, $4  }
0x79: {  	[hbm4b:s8+s4] =	stream.linear.scatter [tilespmem:s13], [sflag:$0x2], $0x10000, $0x38;
	[tilespmem:$0x16180] =	vst v63  }
0x7a: {  	_ =	swait.ge [sflag:s15], $0x10000  }
0x7b: {  	[sflag:s15] =	ssyncset.done $0x0  }
0x7c: {  	[sflag:s15] =	ssyncadd.s32 $0xFFFF0000  }
0x7d: {  	_ =	sfence.sel $0x180000  }
0x7e: {  	[bflag:$0x0] =	sbarrier.arrive $0xFFFF  }
0x7f: {  	p0 =	sne.s32 s1, $0x0;
	_ =	strace $0x90000047  }
0x80: {  	s0 =	sadd.s32 @!p0 $0x100000, s0;
	[bflag:$0x2] =	sbarrier.arrive $0xFFFF  }
0x81: {  	[sflag:s0] =	ssyncadd.tile.s32 @!p0 $0x1;
	_ =	shalt  }
.Lfunc_end2:
_tile_overlayer_lowered:
.L_overlay_start_2:
0x82: {  	(tag) =	ssettag $0x2  }
0x83: {  	s0 =	rddreg [dreg:$0x0];
	s2 =	stileid.u32  }
0x84: {  	s1 =	rddreg [dreg:$0x1];
	p0 =	sne.s32 s2, $0x0  }
0x85: {  	s3 =	rddreg [dreg:$0x2];
	[bflag:$0x3] =	sbarrier.arrive $0xFFFF;
	s2 =	simm.s32 @!p0 $0x1C02  }
0x86: {  	[timem:s3], [sflag:s2] =	dma.local @!p0 [hbm:s0], s1  }
0x87: {  	s0 =	simm.s32 @!p0 $0x2  }
0x88: {  	_ =	swait.ge @!p0 [sflag:s0], s1  }
0x89: {  	s1 =	ssub.s32 @!p0 $0x0, s1;
	[sflag:s0] =	ssyncset.done @!p0 $0x0  }
0x8a: {  	[sflag:s0] =	ssyncadd.s32 @!p0 s1  }
0x8b: {  	[bflag:$0x3] =	sbarrier.arrive $0xFFFF  }
0x8c: {  	_ =	shalt  }

// kernel: kernel.7.cloned.1.call-start
scs
__scs_entry_jumppad:
0x0: {  	(pc) =	sbr.rel $0x88, $3  }
0x1: {  	(tag) =	ssettag $0x0;
	lr =	simm.s32 $0x1  }
0x2: {  	[smem:$0x3F9B] =	sst lr;
	_ =	strace $0xD0000000  }
0x3: {  	_ = 	snop  }
0x4: {  	_ = 	snop  }
0x5: {  	_ = 	snop  }
0x6: {  	_ = 	snop  }
0x7: {  	_ = 	snop  }
__scs_overlays_trampoline_lowered:
0x8: {  	[smem:$0x3FAA] =	sst s0  }
0x9: {  	[smem:$0x3FAB] =	sst s1  }
0xa: {  	[smem:$0x3FAC] =	sst s2  }
0xb: {  	[smem:$0x3FAD] =	sst s3  }
0xc: {  	[smem:$0x3FAE] =	sst s4  }
0xd: {  	[smem:$0x3FAF] =	sst s5  }
0xe: {  	[smem:$0x3FB0] =	sst s6  }
0xf: {  	[smem:$0x3FB1] =	sst s7  }
0x10: {  	[smem:$0x3FB2] =	sst s8  }
0x11: {  	[smem:$0x3FB3] =	sst s9;
	s0 =	simm.s32 @!p0 $0x0  }
0x12: {  	s1 =	sld [smem:$0x3F99];
	s0 =	simm.s32 @p0 $0x1  }
0x13: {  	[smem:$0x3FB4] =	sst s0;
	s0 =	simm.s32 @!p1 $0x0  }
0x14: {  	s2 =	sld [smem:$0x3F98];
	s0 =	simm.s32 @p1 $0x1  }
0x15: {  	[smem:$0x3FB5] =	sst s0;
	s0 =	simm.s32 @!p2 $0x0  }
0x16: {  	s3 =	sld [smem:$0x3FDB];
	s0 =	simm.s32 @p2 $0x1  }
0x17: {  	s4 =	simm.s32 $0x1BF5;
	[smem:$0x3FB7] =	sst s0  }
0x18: {  	s0 =	sld [smem:$0x3F9A];
	_ =	swait.ge [sflag:s4], $0x0  }
0x19: {  	s7 =	sld [smem:$0x3F9B]  }
0x1a: {  	s8 =	sadd.s32 $0xFFFFE003, lr  }
0x1b: {  	s9 =	sadd.s32 $0xFFFFFEF7, lr;
	s5 =	simm.s32 $0xFFFFFFFF;
	p2 =	slt.u32 s8, $0xFFFFF086  }
0x1c: {  	p1 =	slt.u32 s9, $0xF7A;
	s5 =	simm.s32 @!p2 $0x0  }
0x1d: {  	s5 =	simm.s32 @p1 $0x1;
	p0 =	seq.s32 s7, s2  }
0x1e: {  	s7 =	smul.u32 @!p0 $0xF7A, s2;
	p2 =	seq.s32 @!p0 s5, $0x0  }
0x1f: {  	s9 =	smul.u32 $0xF7A, s1;
	s8 =	simm.s32 @!p0 $0x1BF5;
	p2 =	por !p2, p0  }
0x20: {  	[sflag:s8] =	ssyncset.s32 @!p0 $0xFFFFF086;
	s6 =	sadd.s32 @!p0 s3, s7;
	s7 =	simm.s32 @!p0 $0x108  }
0x21: {  	s3 =	sadd.s32 s3, s9;
	s6 =	sadd.s32 @!p0 $0x88, s6;
	s7 =	simm.s32 @p2 $0x1082  }
0x22: {  	[simem:s7], [sflag:s8] =	dma.local @!p0 [hbm:s6], $0xF7A  }
0x23: {  	s9 =	sor.u32 $0xD0000000, s2;
	s6 =	simm.s32 $0x108;
	_ =	swait.ge @!p0 [sflag:s8], $0x0  }
0x24: {  	s3 =	sadd.s32 $0x88, s3;
	s6 =	simm.s32 @!p1 $0x1082;
	[sflag:s4] =	ssyncset.s32 $0xFFFFF086  }
0x25: {  	[simem:s6], [sflag:s4] =	dma.local [hbm:s3], $0xF7A  }
0x26: {  	[smem:$0x3F9B] =	sst s1;
	(tag) =	ssettag s2;
	_ =	strace s9  }
0x27: {  	s1 =	sld [smem:$0x3FAB]  }
0x28: {  	s2 =	sld [smem:$0x3FAC]  }
0x29: {  	s4 =	sld [smem:$0x3FAE]  }
0x2a: {  	p0 =	seq.s32 s5, $0x0;
	s5 =	sld [smem:$0x3FAF]  }
0x2b: {  	s6 =	sld [smem:$0x3FB0]  }
0x2c: {  	s7 =	sld [smem:$0x3FB1]  }
0x2d: {  	s3 =	simm.s32 $0x108;
	s8 =	sld [smem:$0x3FB2]  }
0x2e: {  	s3 =	simm.s32 @!p0 $0x1082;
	s9 =	sld [smem:$0x3FB3]  }
0x2f: {  	lr =	sadd.s32 s0, s3;
	s0 =	sld [smem:$0x3FAA]  }
0x30: {  	s3 =	sld [smem:$0x3FAD]  }
0x31: {  	[smem:$0x3FB6] =	sst s10  }
0x32: {  	s10 =	sld [smem:$0x3FB4];
	_ =	sdelay $0x3  }
0x33: {  	p0 =	seq.s32 s10, $0x1;
	s10 =	sld [smem:$0x3FB6];
	_ =	sdelay $0x3  }
0x34: {  	[smem:$0x3FB6] =	sst s10  }
0x35: {  	s10 =	sld [smem:$0x3FB5];
	_ =	sdelay $0x3  }
0x36: {  	p1 =	seq.s32 s10, $0x1;
	s10 =	sld [smem:$0x3FB6];
	_ =	sdelay $0x3  }
0x37: {  	[smem:$0x3FB6] =	sst s10  }
0x38: {  	s10 =	sld [smem:$0x3FB7]  }
0x39: {  	_ = 	snop;
	(pc) =	sbr.ind lr, $3  }
0x3a: {  	_ = 	snop  }
0x3b: {  	_ = 	snop  }
0x3c: {  	p2 =	seq.s32 s10, $0x1;
	s10 =	sld [smem:$0x3FB6]  }
0x3d: {  	_ =	shalt  }
0x3e: {  	_ =	shalt  }
0x3f: {  	_ =	shalt  }
0x40: {  	_ =	shalt  }
0x41: {  	_ =	shalt  }
0x42: {  	_ =	shalt  }
0x43: {  	_ =	shalt  }
0x44: {  	_ =	shalt  }
0x45: {  	_ =	shalt  }
0x46: {  	_ =	shalt  }
0x47: {  	_ =	shalt  }
0x48: {  	_ =	shalt  }
0x49: {  	_ =	shalt  }
0x4a: {  	_ =	shalt  }
0x4b: {  	_ =	shalt  }
0x4c: {  	_ =	shalt  }
0x4d: {  	_ =	shalt  }
0x4e: {  	_ =	shalt  }
0x4f: {  	_ =	shalt  }
0x50: {  	_ =	shalt  }
0x51: {  	_ =	shalt  }
0x52: {  	_ =	shalt  }
0x53: {  	_ =	shalt  }
0x54: {  	_ =	shalt  }
0x55: {  	_ =	shalt  }
0x56: {  	_ =	shalt  }
0x57: {  	_ =	shalt  }
0x58: {  	_ =	shalt  }
0x59: {  	_ =	shalt  }
0x5a: {  	_ =	shalt  }
0x5b: {  	_ =	shalt  }
0x5c: {  	_ =	shalt  }
0x5d: {  	_ =	shalt  }
0x5e: {  	_ =	shalt  }
0x5f: {  	_ =	shalt  }
0x60: {  	_ =	shalt  }
0x61: {  	_ =	shalt  }
0x62: {  	_ =	shalt  }
0x63: {  	_ =	shalt  }
0x64: {  	_ =	shalt  }
0x65: {  	_ =	shalt  }
0x66: {  	_ =	shalt  }
0x67: {  	_ =	shalt  }
0x68: {  	_ =	shalt  }
0x69: {  	_ =	shalt  }
0x6a: {  	_ =	shalt  }
0x6b: {  	_ =	shalt  }
0x6c: {  	_ =	shalt  }
0x6d: {  	_ =	shalt  }
0x6e: {  	_ =	shalt  }
0x6f: {  	_ =	shalt  }
0x70: {  	_ =	shalt  }
0x71: {  	_ =	shalt  }
0x72: {  	_ =	shalt  }
0x73: {  	_ =	shalt  }
0x74: {  	_ =	shalt  }
0x75: {  	_ =	shalt  }
0x76: {  	_ =	shalt  }
0x77: {  	_ =	shalt  }
0x78: {  	_ =	shalt  }
0x79: {  	_ =	shalt  }
0x7a: {  	_ =	shalt  }
0x7b: {  	_ =	shalt  }
0x7c: {  	_ =	shalt  }
0x7d: {  	_ =	shalt  }
0x7e: {  	_ =	shalt  }
0x7f: {  	_ =	shalt  }
0x80: {  	_ =	shalt  }
0x81: {  	_ =	shalt  }
0x82: {  	_ =	shalt  }
0x83: {  	_ =	shalt  }
0x84: {  	_ =	shalt  }
0x85: {  	_ =	shalt  }
0x86: {  	_ =	shalt  }
0x87: {  	_ =	shalt  }
.Lfunc_end0:
.L_simem_size_0:
called_computation.1_lowered:
.L_overlay_start_0:
0x88: {  	s2 =	sld [smem:$0x3FD9]  }
0x89: {  	s3 =	sld [smem:$0x3FFE];
	_ =	sdelay $0x1  }
0x8a: {  	s1 =	srdreg.scid  }
0x8b: {  	s0 =	sand.u32 $0x1, s1  }
0x8c: {  	s17 =	sshll.u32 s0, $0xA;
	s2 =	sadd.s32 s3, s2  }
0x8d: {  	s2 =	sadd.s32 s2, s17  }
0x8e: {  	[smem:$0x3FC2] =	sst s2  }
0x8f: {  	_ = 	snop  }
0x90: {  	s2 =	sld [smem:$0x3FC4];
	(tm) =	ssettm $0x1  }
0x91: {  	s18 =	sld [smem:$0x3FFB];
	_ =	sdelay $0x3  }
0x92: {  	_ =	strace s18  }
0x93: {  	s3 =	sld [smem:$0x3FFC];
	_ =	sdelay $0x3  }
0x94: {  	_ =	strace s3  }
0x95: {  	s3 =	sld [smem:$0x3FFD];
	_ =	sdelay $0x3  }
0x96: {  	_ =	strace s3  }
0x97: {  	_ =	strace $0x8FFFFFFF  }
0x98: {  	s19 =	sld [smem:$0x3FDB];
	_ =	sdelay $0x1  }
0x99: {  	s4 =	simm.s32 $_scs_section_size  }
0x9a: {  	s5 =	simm.s32 $_size__tile_overlayer_lowered;
	s6 =	simm.s32 $_tile_overlayer_lowered  }
0x9b: {  	s22 =	simm.s32 $0x1BFF;
	s21 =	sshll.u32 s6, $0x1;
	s3 =	sadd.s32 s4, s19  }
0x9c: {  	s7 =	simm.s32 $0x0;
	s20 =	sshll.u32 s5, $0x1;
	s5 =	sadd.s32 s21, s3  }
0x9d: {  	[timem:s7], [sflag:s22] =	dma.local [hbm:s5], s20  }
0x9e: {  	_ =	swait.ge [sflag:s22], s20  }
0x9f: {  	s4 =	ssub.s32 $0x0, s20;
	[sflag:s22] =	ssyncset.done $0x0  }
0xa0: {  	[sflag:s22] =	ssyncadd.s32 s4;
	_ =	sdelay $0x1  }
0xa1: {  	s23 =	simm.s32 $0x1B8B  }
0xa2: {  	_ =	swait.ge [sflag:s23], $0x1  }
0xa3: {  	[sflag:s23] =	ssyncset.done $0x0  }
0xa4: {  	s25 =	simm.s32 $0x1B8E;
	s24 =	sld [smem:$0x3FFE];
	[sflag:s23] =	ssyncadd.s32 $0xFFFFFFFF  }
0xa5: {  	s26 =	simm.s32 $execute0_lowered;
	[smem:$0x3FD2] =	sst s25  }
0xa6: {  	s5 =	sshll.u32 s26, $0x1;
	_ =	strace $0x80000049;
	[dreg:$0x1] =	wrdreg $0xFFFFFFFF  }
0xa7: {  	s28 =	simm.s32 $_size_execute0_lowered;
	s3 =	sadd.s32 s3, s5;
	[dreg:$0x0] =	wrdreg $0x0  }
0xa8: {  	s5 =	sshll.u32 s28, $0x1;
	[dreg:$0x2] =	wrdreg s3  }
0xa9: {  	[dreg:$0x3] =	wrdreg s5  }
0xaa: {  	[dreg:$0x4] =	wrdreg $0xC0  }
0xab: {  	_ =	task [dreg:s7], $0x5FFFF  }
0xac: {  	[dreg:$0x1] =	wrdreg $0xFFFFFFFF  }
0xad: {  	[dreg:$0x0] =	wrdreg $0x60  }
0xae: {  	[dreg:$0x2] =	wrdreg s24  }
0xaf: {  	[dreg:$0x3] =	wrdreg s2  }
0xb0: {  	[dreg:$0x4] =	wrdreg $0x9  }
0xb1: {  	_ =	task.clear_ibuf [dreg:s7], $0x5FFFF;
	_ =	strace $0x90000049  }
0xb2: {  	s29 =	simm.s32 $0x9;
	_ =	strace $0x8000004B  }
0xb3: {  	_ =	swait.ge [sflag:s29], $0x1  }
0xb4: {  	[sflag:s29] =	ssyncadd.s32 $0xFFFFFFFF  }
0xb5: {  	_ =	strace $0x9000004B  }
0xb6: {  	_ =	sfence  }
0xb7: {  	s30 =	sld [smem:$0x0];
	_ =	sdelay $0x2  }
0xb8: {  	s31 =	sshll.u32 s1, $0xD;
	s1 =	sshrl.u32 s1, $0x2  }
0xb9: {  	s3 =	sand.u32 $0x4000, s31;
	s1 =	sadd.s32 s1, s30  }
0xba: {  	s0 =	sor.u32 s3, s0;
	s1 =	sshll.u32 s1, $0x11  }
0xbb: {  	s0 =	sor.u32 s1, s0  }
0xbc: {  	s0 =	sadd.s32 $0x8F2B, s0  }
0xbd: {  	[sflag:s0] =	ssyncadd.remote.s32 $0x1  }
0xbe: {  	_ =	sfence.sel $0xFFFF  }
0xbf: {  	[dreg:$0x0] =	wrdreg $0xFFFFFFFF;
	(pc) =	sbr.abs _section_cstart, $3  }
0xc0: {  	[dreg:$0x1] =	wrdreg $0xFFFFFFFF  }
0xc1: {  	_ =	task.clear_ibuf [dreg:s7], $0x2FFFF;
	_ =	strace $0x9FFFFFFF  }
0xc2: {  	(tm) =	ssettm $0x7FFFFFFF  }
0xc3: {  	_ =	shalt  }
tec
execute0_lowered:
.L_overlay_start_1:
0x0: {  	(tag) =	ssettag $0x1  }
0x1: {  	s3 =	srdreg.scid;
	s4 =	stileid.u32  }
0x2: {  	s0 =	rddreg [dreg:$0x0];
	s3 =	sand.u32 $0x1, s3;
	s4 =	sshll.u32 s4, $0x1  }
0x3: {  	s1 =	rddreg [dreg:$0x1];
	s2 =	simm.s32 $0x0;
	s4 =	sor.u32 s3, s4  }
0x4: {  	s9 =	simm.s32 $0x10900;
	s10 =	simm.s32 $0x1;
	s5 =	sshll.u32 s4, $0x8  }
0x5: {  	[smem:$0x7FF] =	sst s2;
	s7 =	sadd.s32 $0x52A00, s0;
	s12 =	sadd.s32 s5, s0  }
0x6: {  	_ =	strace $0x8000004A;
	[dreg:$0x3] =	wrdreg s7;
	s0 =	sadd.s32 $0x12A00, s12  }
0x7: {  	s11 =	simm.s32 $0x2;
	s13 =	sadd.s32 $0x14A00, s12;
	[dreg:$0x4] =	wrdreg s0  }
0x8: {  	s3 =	ssub.s32 $0x2, s3;
	s14 =	sadd.s32 $0x16A00, s12;
	[dreg:$0x5] =	wrdreg s13  }
0x9: {  	s6 =	sshrl.u32 s3, $0x1;
	s15 =	sadd.s32 $0x18A00, s12;
	[dreg:$0x6] =	wrdreg s14  }
0xa: {  	s26 =	sshll.u32 s4, $0x5;
	s16 =	sadd.s32 $0x1AA00, s12;
	[dreg:$0x7] =	wrdreg s15  }
0xb: {  	s8 =	ssub.s32 s3, s6;
	s17 =	sadd.s32 $0x1CA00, s12;
	[dreg:$0x8] =	wrdreg s16  }
0xc: {  	s18 =	sadd.s32 $0x1EA00, s12;
	s19 =	sadd.s32 $0x20A00, s12;
	[dreg:$0x9] =	wrdreg s17  }
0xd: {  	s20 =	sadd.s32 $0x22A00, s12;
	s21 =	sadd.s32 $0x24A00, s12;
	[dreg:$0xa] =	wrdreg s18  }
0xe: {  	s22 =	sadd.s32 $0x26A00, s12;
	s23 =	sadd.s32 $0x28A00, s12;
	[dreg:$0xb] =	wrdreg s19  }
0xf: {  	s24 =	sadd.s32 $0x2AA00, s12;
	s25 =	sadd.s32 $0x2CA00, s12;
	[dreg:$0xc] =	wrdreg s20  }
0x10: {  	s28 =	sadd.s32 $0x3EA00, s12;
	s29 =	sadd.s32 $0x40A00, s12;
	[dreg:$0xd] =	wrdreg s21  }
0x11: {  	s30 =	sadd.s32 $0x42A00, s12;
	s31 =	sadd.s32 $0x44A00, s12;
	[dreg:$0xe] =	wrdreg s22  }
0x12: {  	s3 =	sadd.s32 $0x4AA00, s12;
	s4 =	sadd.s32 $0x4CA00, s12;
	[dreg:$0xf] =	wrdreg s23  }
0x13: {  	s5 =	sadd.s32 $0x4EA00, s12;
	s6 =	sadd.s32 $0x50A00, s12;
	[dreg:$0x10] =	wrdreg s24  }
0x14: {  	s7 =	sadd.s32 $0xA00, s12;
	s8 =	smax.u32 s8, $0x1;
	[dreg:$0x11] =	wrdreg s25  }
0x15: {  	s18 =	sadd.s32 $0x2EA00, s12;
	s19 =	sadd.s32 $0x30A00, s12;
	s20 =	sadd.s32 $0x32A00, s12  }
0x16: {  	s21 =	sadd.s32 $0x34A00, s12;
	s22 =	sadd.s32 s1, s26;
	s23 =	sadd.s32 $0x36A00, s12  }
0x17: {  	s24 =	sadd.s32 $0x38A00, s12;
	s25 =	sadd.s32 $0x3AA00, s12;
	s26 =	sadd.s32 $0x3CA00, s12  }
0x18: {  	s0 =	sadd.s32 $0x46A00, s12;
	s1 =	sadd.s32 $0x48A00, s12;
	s12 =	simm.s32 $0x0  }
.LBB2_1:
0x19: {  	s13 =	rddreg [dreg:$0x4]  }
0x1a: {  	[tilespmem:s2], [sflag:$0x1] =	stream.linear.gather [hbm4b:s13+s2], $0x800, $0x38;
	[tilespmem:$0x10980] =	vst v63  }
0x1b: {  	s17 =	rddreg [dreg:$0x5];
	s14 =	simm.s32 $0x800  }
0x1c: {  	[tilespmem:s14], [sflag:$0x1] =	stream.linear.gather [hbm4b:s17+s2], $0x800, $0x38;
	[tilespmem:$0x10980] =	vst v63  }
0x1d: {  	s15 =	simm.s32 $0x1000;
	s14 =	rddreg [dreg:$0x6]  }
0x1e: {  	[tilespmem:s15], [sflag:$0x1] =	stream.linear.gather [hbm4b:s14+s2], $0x800, $0x38;
	[tilespmem:$0x10980] =	vst v63  }
0x1f: {  	s16 =	rddreg [dreg:$0x7];
	s17 =	simm.s32 $0x1800  }
0x20: {  	[tilespmem:s17], [sflag:$0x1] =	stream.linear.gather [hbm4b:s16+s2], $0x800, $0x38;
	[tilespmem:$0x10980] =	vst v63  }
0x21: {  	s14 =	rddreg [dreg:$0x8];
	s15 =	simm.s32 $0x2000  }
0x22: {  	[tilespmem:s15], [sflag:$0x1] =	stream.linear.gather [hbm4b:s14+s2], $0x800, $0x38;
	[tilespmem:$0x10980] =	vst v63  }
0x23: {  	s16 =	rddreg [dreg:$0x9];
	s17 =	simm.s32 $0x2800  }
0x24: {  	[tilespmem:s17], [sflag:$0x1] =	stream.linear.gather [hbm4b:s16+s2], $0x800, $0x38;
	[tilespmem:$0x10980] =	vst v63  }
0x25: {  	s14 =	rddreg [dreg:$0xa];
	s15 =	simm.s32 $0x3000  }
0x26: {  	[tilespmem:s15], [sflag:$0x1] =	stream.linear.gather [hbm4b:s14+s2], $0x800, $0x38;
	[tilespmem:$0x10980] =	vst v63  }
0x27: {  	s16 =	rddreg [dreg:$0xb];
	s17 =	simm.s32 $0x3800  }
0x28: {  	[tilespmem:s17], [sflag:$0x1] =	stream.linear.gather [hbm4b:s16+s2], $0x800, $0x38;
	[tilespmem:$0x10980] =	vst v63  }
0x29: {  	s14 =	rddreg [dreg:$0xc];
	s15 =	simm.s32 $0x4000  }
0x2a: {  	[tilespmem:s15], [sflag:$0x1] =	stream.linear.gather [hbm4b:s14+s2], $0x800, $0x38;
	[tilespmem:$0x10980] =	vst v63  }
0x2b: {  	s16 =	rddreg [dreg:$0xd];
	s17 =	simm.s32 $0x4800  }
0x2c: {  	[tilespmem:s17], [sflag:$0x1] =	stream.linear.gather [hbm4b:s16+s2], $0x800, $0x38;
	[tilespmem:$0x10980] =	vst v63  }
0x2d: {  	s14 =	rddreg [dreg:$0xe];
	s15 =	simm.s32 $0x5000  }
0x2e: {  	[tilespmem:s15], [sflag:$0x1] =	stream.linear.gather [hbm4b:s14+s2], $0x800, $0x38;
	[tilespmem:$0x10980] =	vst v63  }
0x2f: {  	s16 =	rddreg [dreg:$0xf];
	s17 =	simm.s32 $0x5800  }
0x30: {  	[tilespmem:s17], [sflag:$0x1] =	stream.linear.gather [hbm4b:s16+s2], $0x800, $0x38;
	[tilespmem:$0x10980] =	vst v63  }
0x31: {  	s14 =	rddreg [dreg:$0x10];
	s15 =	simm.s32 $0x6000  }
0x32: {  	[tilespmem:s15], [sflag:$0x1] =	stream.linear.gather [hbm4b:s14+s2], $0x800, $0x38;
	[tilespmem:$0x10980] =	vst v63  }
0x33: {  	s16 =	rddreg [dreg:$0x11];
	s17 =	simm.s32 $0x6800  }
0x34: {  	[tilespmem:s17], [sflag:$0x1] =	stream.linear.gather [hbm4b:s16+s2], $0x800, $0x38;
	[tilespmem:$0x10980] =	vst v63  }
0x35: {  	s15 =	simm.s32 $0x7000  }
0x36: {  	[tilespmem:s15], [sflag:$0x1] =	stream.linear.gather [hbm4b:s18+s2], $0x800, $0x38;
	[tilespmem:$0x10980] =	vst v63  }
0x37: {  	s16 =	simm.s32 $0x7800  }
0x38: {  	[tilespmem:s16], [sflag:$0x1] =	stream.linear.gather [hbm4b:s19+s2], $0x800, $0x38;
	[tilespmem:$0x10980] =	vst v63  }
0x39: {  	s17 =	simm.s32 $0x8000  }
0x3a: {  	[tilespmem:s17], [sflag:$0x1] =	stream.linear.gather [hbm4b:s20+s2], $0x800, $0x38;
	[tilespmem:$0x10980] =	vst v63  }
0x3b: {  	s14 =	simm.s32 $0x8800  }
0x3c: {  	[tilespmem:s14], [sflag:$0x1] =	stream.linear.gather [hbm4b:s21+s2], $0x800, $0x38;
	[tilespmem:$0x10980] =	vst v63  }
0x3d: {  	s15 =	simm.s32 $0x9000  }
0x3e: {  	[tilespmem:s15], [sflag:$0x1] =	stream.linear.gather [hbm4b:s23+s2], $0x800, $0x38;
	[tilespmem:$0x10980] =	vst v63  }
0x3f: {  	s16 =	simm.s32 $0x9800  }
0x40: {  	[tilespmem:s16], [sflag:$0x1] =	stream.linear.gather [hbm4b:s24+s2], $0x800, $0x38;
	[tilespmem:$0x10980] =	vst v63  }
0x41: {  	s17 =	simm.s32 $0xA000  }
0x42: {  	[tilespmem:s17], [sflag:$0x1] =	stream.linear.gather [hbm4b:s25+s2], $0x800, $0x38;
	[tilespmem:$0x10980] =	vst v63  }
0x43: {  	s14 =	simm.s32 $0xA800  }
0x44: {  	[tilespmem:s14], [sflag:$0x1] =	stream.linear.gather [hbm4b:s26+s2], $0x800, $0x38;
	[tilespmem:$0x10980] =	vst v63  }
0x45: {  	s15 =	simm.s32 $0xB000  }
0x46: {  	[tilespmem:s15], [sflag:$0x1] =	stream.linear.gather [hbm4b:s28+s2], $0x800, $0x38;
	[tilespmem:$0x10980] =	vst v63  }
0x47: {  	s16 =	simm.s32 $0xB800  }
0x48: {  	[tilespmem:s16], [sflag:$0x1] =	stream.linear.gather [hbm4b:s29+s2], $0x800, $0x38;
	[tilespmem:$0x10980] =	vst v63  }
0x49: {  	s17 =	simm.s32 $0xC000  }
0x4a: {  	[tilespmem:s17], [sflag:$0x1] =	stream.linear.gather [hbm4b:s30+s2], $0x800, $0x38;
	[tilespmem:$0x10980] =	vst v63  }
0x4b: {  	s14 =	simm.s32 $0xC800  }
0x4c: {  	[tilespmem:s14], [sflag:$0x1] =	stream.linear.gather [hbm4b:s31+s2], $0x800, $0x38;
	[tilespmem:$0x10980] =	vst v63  }
0x4d: {  	s15 =	simm.s32 $0xD000  }
0x4e: {  	[tilespmem:s15], [sflag:$0x1] =	stream.linear.gather [hbm4b:s0+s2], $0x800, $0x38;
	[tilespmem:$0x10980] =	vst v63  }
0x4f: {  	s16 =	simm.s32 $0xD800  }
0x50: {  	[tilespmem:s16], [sflag:$0x1] =	stream.linear.gather [hbm4b:s1+s2], $0x800, $0x38;
	[tilespmem:$0x10980] =	vst v63  }
0x51: {  	s17 =	simm.s32 $0xE000  }
0x52: {  	[tilespmem:s17], [sflag:$0x1] =	stream.linear.gather [hbm4b:s3+s2], $0x800, $0x38;
	[tilespmem:$0x10980] =	vst v63  }
0x53: {  	s14 =	simm.s32 $0xE800  }
0x54: {  	[tilespmem:s14], [sflag:$0x1] =	stream.linear.gather [hbm4b:s4+s2], $0x800, $0x38;
	[tilespmem:$0x10980] =	vst v63  }
0x55: {  	s15 =	simm.s32 $0xF000  }
0x56: {  	[tilespmem:s15], [sflag:$0x1] =	stream.linear.gather [hbm4b:s5+s2], $0x800, $0x38;
	[tilespmem:$0x10980] =	vst v63  }
0x57: {  	s16 =	simm.s32 $0xF800  }
0x58: {  	[tilespmem:s16], [sflag:$0x1] =	stream.linear.gather [hbm4b:s6+s2], $0x800, $0x38;
	[tilespmem:$0x10980] =	vst v63  }
0x59: {  	s13 =	simm.s32 $0x10800  }
0x5a: {  	[tilespmem:s13], [sflag:$0x1] =	stream.linear.gather [hbm4b:s22+s2], $0x100, $0x38;
	[tilespmem:$0x10980] =	vst v63  }
0x5b: {  	s17 =	rddreg [dreg:$0x3]  }
0x5c: {  	[tilespmem:s9], [sflag:$0x1] =	stream.linear.gather [hbm4b:s17+s2], $0x80, $0x38;
	[tilespmem:$0x10980] =	vst v63  }
0x5d: {  	_ =	swait.ge [sflag:s10], $0x800  }
0x5e: {  	[sflag:s10] =	ssyncset.done $0x0  }
0x5f: {  	[sflag:s10] =	ssyncadd.s32 $0xFFFFF800  }
0x60: {  	_ =	swait.ge [sflag:s10], $0x800  }
0x61: {  	[sflag:s10] =	ssyncset.done $0x0  }
0x62: {  	[sflag:s10] =	ssyncadd.s32 $0xFFFFF800  }
0x63: {  	_ =	swait.ge [sflag:s10], $0x800  }
0x64: {  	[sflag:s10] =	ssyncset.done $0x0  }
0x65: {  	[sflag:s10] =	ssyncadd.s32 $0xFFFFF800  }
0x66: {  	_ =	swait.ge [sflag:s10], $0x800  }
0x67: {  	[sflag:s10] =	ssyncset.done $0x0  }
0x68: {  	[sflag:s10] =	ssyncadd.s32 $0xFFFFF800  }
0x69: {  	_ =	swait.ge [sflag:s10], $0x800  }
0x6a: {  	[sflag:s10] =	ssyncset.done $0x0  }
0x6b: {  	[sflag:s10] =	ssyncadd.s32 $0xFFFFF800  }
0x6c: {  	_ =	swait.ge [sflag:s10], $0x800  }
0x6d: {  	[sflag:s10] =	ssyncset.done $0x0  }
0x6e: {  	[sflag:s10] =	ssyncadd.s32 $0xFFFFF800  }
0x6f: {  	_ =	swait.ge [sflag:s10], $0x800  }
0x70: {  	[sflag:s10] =	ssyncset.done $0x0  }
0x71: {  	[sflag:s10] =	ssyncadd.s32 $0xFFFFF800  }
0x72: {  	_ =	swait.ge [sflag:s10], $0x800  }
0x73: {  	[sflag:s10] =	ssyncset.done $0x0  }
0x74: {  	[sflag:s10] =	ssyncadd.s32 $0xFFFFF800  }
0x75: {  	_ =	swait.ge [sflag:s10], $0x800  }
0x76: {  	[sflag:s10] =	ssyncset.done $0x0  }
0x77: {  	[sflag:s10] =	ssyncadd.s32 $0xFFFFF800  }
0x78: {  	_ =	swait.ge [sflag:s10], $0x800  }
0x79: {  	[sflag:s10] =	ssyncset.done $0x0  }
0x7a: {  	[sflag:s10] =	ssyncadd.s32 $0xFFFFF800  }
0x7b: {  	_ =	swait.ge [sflag:s10], $0x800  }
0x7c: {  	[sflag:s10] =	ssyncset.done $0x0  }
0x7d: {  	[sflag:s10] =	ssyncadd.s32 $0xFFFFF800  }
0x7e: {  	_ =	swait.ge [sflag:s10], $0x800  }
0x7f: {  	[sflag:s10] =	ssyncset.done $0x0  }
0x80: {  	[sflag:s10] =	ssyncadd.s32 $0xFFFFF800  }
0x81: {  	_ =	swait.ge [sflag:s10], $0x800  }
0x82: {  	[sflag:s10] =	ssyncset.done $0x0  }
0x83: {  	[sflag:s10] =	ssyncadd.s32 $0xFFFFF800  }
0x84: {  	_ =	swait.ge [sflag:s10], $0x800  }
0x85: {  	[sflag:s10] =	ssyncset.done $0x0  }
0x86: {  	[sflag:s10] =	ssyncadd.s32 $0xFFFFF800  }
0x87: {  	_ =	swait.ge [sflag:s10], $0x800  }
0x88: {  	[sflag:s10] =	ssyncset.done $0x0  }
0x89: {  	[sflag:s10] =	ssyncadd.s32 $0xFFFFF800  }
0x8a: {  	_ =	swait.ge [sflag:s10], $0x800  }
0x8b: {  	[sflag:s10] =	ssyncset.done $0x0  }
0x8c: {  	[sflag:s10] =	ssyncadd.s32 $0xFFFFF800  }
0x8d: {  	_ =	swait.ge [sflag:s10], $0x800  }
0x8e: {  	[sflag:s10] =	ssyncset.done $0x0  }
0x8f: {  	[sflag:s10] =	ssyncadd.s32 $0xFFFFF800  }
0x90: {  	_ =	swait.ge [sflag:s10], $0x800  }
0x91: {  	[sflag:s10] =	ssyncset.done $0x0  }
0x92: {  	[sflag:s10] =	ssyncadd.s32 $0xFFFFF800  }
0x93: {  	_ =	swait.ge [sflag:s10], $0x800  }
0x94: {  	[sflag:s10] =	ssyncset.done $0x0  }
0x95: {  	[sflag:s10] =	ssyncadd.s32 $0xFFFFF800  }
0x96: {  	_ =	swait.ge [sflag:s10], $0x800  }
0x97: {  	[sflag:s10] =	ssyncset.done $0x0  }
0x98: {  	[sflag:s10] =	ssyncadd.s32 $0xFFFFF800  }
0x99: {  	_ =	swait.ge [sflag:s10], $0x800  }
0x9a: {  	[sflag:s10] =	ssyncset.done $0x0  }
0x9b: {  	[sflag:s10] =	ssyncadd.s32 $0xFFFFF800  }
0x9c: {  	_ =	swait.ge [sflag:s10], $0x800  }
0x9d: {  	[sflag:s10] =	ssyncset.done $0x0  }
0x9e: {  	[sflag:s10] =	ssyncadd.s32 $0xFFFFF800  }
0x9f: {  	_ =	swait.ge [sflag:s10], $0x800  }
0xa0: {  	[sflag:s10] =	ssyncset.done $0x0  }
0xa1: {  	[sflag:s10] =	ssyncadd.s32 $0xFFFFF800  }
0xa2: {  	_ =	swait.ge [sflag:s10], $0x800  }
0xa3: {  	[sflag:s10] =	ssyncset.done $0x0  }
0xa4: {  	[sflag:s10] =	ssyncadd.s32 $0xFFFFF800  }
0xa5: {  	_ =	swait.ge [sflag:s10], $0x800  }
0xa6: {  	[sflag:s10] =	ssyncset.done $0x0  }
0xa7: {  	[sflag:s10] =	ssyncadd.s32 $0xFFFFF800  }
0xa8: {  	_ =	swait.ge [sflag:s10], $0x800  }
0xa9: {  	[sflag:s10] =	ssyncset.done $0x0  }
0xaa: {  	[sflag:s10] =	ssyncadd.s32 $0xFFFFF800  }
0xab: {  	_ =	swait.ge [sflag:s10], $0x800  }
0xac: {  	[sflag:s10] =	ssyncset.done $0x0  }
0xad: {  	[sflag:s10] =	ssyncadd.s32 $0xFFFFF800  }
0xae: {  	_ =	swait.ge [sflag:s10], $0x800  }
0xaf: {  	[sflag:s10] =	ssyncset.done $0x0  }
0xb0: {  	[sflag:s10] =	ssyncadd.s32 $0xFFFFF800  }
0xb1: {  	_ =	swait.ge [sflag:s10], $0x800  }
0xb2: {  	[sflag:s10] =	ssyncset.done $0x0  }
0xb3: {  	[sflag:s10] =	ssyncadd.s32 $0xFFFFF800  }
0xb4: {  	_ =	swait.ge [sflag:s10], $0x800  }
0xb5: {  	[sflag:s10] =	ssyncset.done $0x0  }
0xb6: {  	[sflag:s10] =	ssyncadd.s32 $0xFFFFF800  }
0xb7: {  	_ =	swait.ge [sflag:s10], $0x800  }
0xb8: {  	[sflag:s10] =	ssyncset.done $0x0  }
0xb9: {  	[sflag:s10] =	ssyncadd.s32 $0xFFFFF800  }
0xba: {  	_ =	swait.ge [sflag:s10], $0x800  }
0xbb: {  	[sflag:s10] =	ssyncset.done $0x0  }
0xbc: {  	[sflag:s10] =	ssyncadd.s32 $0xFFFFF800  }
0xbd: {  	_ =	swait.ge [sflag:s10], $0x100  }
0xbe: {  	[sflag:s10] =	ssyncset.done $0x0  }
0xbf: {  	[sflag:s10] =	ssyncadd.s32 $0xFFFFFF00  }
0xc0: {  	_ =	swait.ge [sflag:s10], $0x80  }
0xc1: {  	[sflag:s10] =	ssyncset.done $0x0  }
0xc2: {  	s15 =	simm.s32 $0x0;
	[sflag:s10] =	ssyncadd.s32 $0xFFFFFF80  }
0xc3: {  	v0 =	vld [tilespmem:s15+$0x0]  }
0xc4: {  	v1 =	vld [tilespmem:s15+$0x800];
	_ =	sdelay $0x1  }
0xc5: {  	v2 =	vld [tilespmem:s15+$0x1000];
	_ =	sdelay $0x1  }
0xc6: {  	v3 =	vld [tilespmem:s15+$0x1800]  }
0xc7: {  	v0 =	vadd.f32 v1, v0  }
0xc8: {  	v1 =	vld [tilespmem:s15+$0x2000]  }
0xc9: {  	v0 =	vadd.f32 v2, v0  }
0xca: {  	v2 =	vld [tilespmem:s15+$0x2800]  }
0xcb: {  	v0 =	vadd.f32 v3, v0  }
0xcc: {  	v3 =	vld [tilespmem:s15+$0x3000]  }
0xcd: {  	v0 =	vadd.f32 v1, v0  }
0xce: {  	v1 =	vld [tilespmem:s15+$0x3800]  }
0xcf: {  	v0 =	vadd.f32 v2, v0  }
0xd0: {  	v2 =	vld [tilespmem:s15+$0x4000]  }
0xd1: {  	v0 =	vadd.f32 v3, v0  }
0xd2: {  	v3 =	vld [tilespmem:s15+$0x4800]  }
0xd3: {  	v0 =	vadd.f32 v1, v0  }
0xd4: {  	v1 =	vld [tilespmem:s15+$0x5000]  }
0xd5: {  	v0 =	vadd.f32 v2, v0  }
0xd6: {  	v2 =	vld [tilespmem:s15+$0x5800]  }
0xd7: {  	v0 =	vadd.f32 v3, v0  }
0xd8: {  	v3 =	vld [tilespmem:s15+$0x6000]  }
0xd9: {  	v0 =	vadd.f32 v1, v0  }
0xda: {  	v1 =	vld [tilespmem:s15+$0x6800]  }
0xdb: {  	v0 =	vadd.f32 v2, v0  }
0xdc: {  	v2 =	vld [tilespmem:s15+$0x7000]  }
0xdd: {  	v0 =	vadd.f32 v3, v0  }
0xde: {  	v3 =	vld [tilespmem:s15+$0x7800]  }
0xdf: {  	v4 =	vld [tilespmem:s15+$0x8000];
	v0 =	vadd.f32 v1, v0  }
0xe0: {  	s14 =	simm.s32 $0x80;
	v5 =	vld [tilespmem:s15+$0x8800]  }
0xe1: {  	v6 =	vld [tilespmem:s14+$0x0];
	v0 =	vadd.f32 v2, v0  }
0xe2: {  	v7 =	vld [tilespmem:s14+$0x1000]  }
0xe3: {  	v2 =	vld [tilespmem:s15+$0x9000];
	v0 =	vadd.f32 v3, v0  }
0xe4: {  	v3 =	vld [tilespmem:s14+$0x800]  }
0xe5: {  	v8 =	vld [tilespmem:s14+$0x1800];
	v0 =	vadd.f32 v4, v0  }
0xe6: {  	v4 =	vld [tilespmem:s15+$0x9800]  }
0xe7: {  	v1 =	vld [tilespmem:s15+$0xE000];
	v0 =	vadd.f32 v5, v0  }
0xe8: {  	v5 =	vld [tilespmem:s15+$0xA000]  }
0xe9: {  	v3 =	vadd.f32 v3, v6;
	v6 =	vld [tilespmem:s14+$0x2000];
	v0 =	vadd.f32 v2, v0  }
0xea: {  	v2 =	vld [tilespmem:s15+$0xA800]  }
0xeb: {  	v3 =	vadd.f32 v7, v3;
	v7 =	vld [tilespmem:s14+$0x2800];
	v0 =	vadd.f32 v4, v0  }
0xec: {  	v4 =	vld [tilespmem:s15+$0xB000]  }
0xed: {  	v3 =	vadd.f32 v8, v3;
	v8 =	vld [tilespmem:s14+$0x3000];
	v0 =	vadd.f32 v5, v0  }
0xee: {  	v5 =	vld [tilespmem:s15+$0xB800]  }
0xef: {  	v3 =	vadd.f32 v6, v3;
	v6 =	vld [tilespmem:s14+$0x3800];
	v0 =	vadd.f32 v2, v0  }
0xf0: {  	v2 =	vld [tilespmem:s15+$0xC000]  }
0xf1: {  	v3 =	vadd.f32 v7, v3;
	v7 =	vld [tilespmem:s14+$0x4000];
	v0 =	vadd.f32 v4, v0  }
0xf2: {  	v4 =	vld [tilespmem:s15+$0xC800]  }
0xf3: {  	v3 =	vadd.f32 v8, v3;
	v8 =	vld [tilespmem:s14+$0x4800];
	v0 =	vadd.f32 v5, v0  }
0xf4: {  	v5 =	vld [tilespmem:s15+$0xD000]  }
0xf5: {  	v3 =	vadd.f32 v6, v3;
	v6 =	vld [tilespmem:s14+$0x5000];
	v0 =	vadd.f32 v2, v0  }
0xf6: {  	v2 =	vld [tilespmem:s15+$0xD800]  }
0xf7: {  	v3 =	vadd.f32 v7, v3;
	v7 =	vld [tilespmem:s14+$0x5800];
	v0 =	vadd.f32 v4, v0  }
0xf8: {  	v4 =	vld [tilespmem:s13+$0x0]  }
0xf9: {  	v3 =	vadd.f32 v8, v3;
	v8 =	vld [tilespmem:s14+$0x6000];
	v0 =	vadd.f32 v5, v0  }
0xfa: {  	v5 =	vld [tilespmem:s15+$0xE800]  }
0xfb: {  	v3 =	vadd.f32 v6, v3;
	v6 =	vld [tilespmem:s14+$0x6800];
	v0 =	vadd.f32 v2, v0  }
0xfc: {  	v2 =	vld [tilespmem:s15+$0xF000]  }
0xfd: {  	v3 =	vadd.f32 v7, v3;
	v7 =	vld [tilespmem:s15+$0xF800];
	v0 =	vadd.f32 v1, v0  }
0xfe: {  	v1 =	vld [tilespmem:s14+$0x7000]  }
0xff: {  	v9 =	vld [tilespmem:s14+$0x7800];
	v3 =	vadd.f32 v8, v3;
	v5 =	vadd.f32 v5, v0  }
0x100: {  	v8 =	vld.idx.msk [tilespmem:v4+s9+$0x0], $0xffff  }
0x101: {  	v0 =	vld [tilespmem:s14+$0xE000];
	v4 =	vadd.f32 v6, v3;
	v2 =	vadd.f32 v2, v5  }
0x102: {  	v3 =	vld [tilespmem:s14+$0x8000]  }
0x103: {  	v5 =	vadd.f32 v1, v4;
	v1 =	vld [tilespmem:s14+$0x9000];
	v6 =	vadd.f32 v7, v2  }
0x104: {  	s16 =	simm.s32 $0x100;
	v4 =	vld [tilespmem:s14+$0x8800]  }
0x105: {  	s17 =	simm.s32 $0x600;
	v2 =	vld [tilespmem:s16+$0x0];
	v5 =	vadd.f32 v9, v5;
	v6 =	vadd.f32 v8, v6  }
.LBB2_2:
0x106: {  	p0 =	sne.s32 s17, $0x1E00;
	v7 =	vld [tilespmem:s16+$0x800]  }
0x107: {  	v3 =	vadd.f32 v3, v5;
	v5 =	vld [tilespmem:s14+$0x9800];
	[tilespmem:s15+$0x10000] =	vst v6;
	s15 =	smov.u32 s14;
	s14 =	smov.u32 s16  }
0x108: {  	v6 =	vld [tilespmem:s14+$0x1000]  }
0x109: {  	v3 =	vadd.f32 v4, v3;
	v4 =	vld [tilespmem:s15+$0xA000]  }
0x10a: {  	v8 =	vld [tilespmem:s14+$0x1800]  }
0x10b: {  	v2 =	vadd.f32 v7, v2;
	v1 =	vadd.f32 v1, v3;
	v3 =	vld [tilespmem:s15+$0xA800]  }
0x10c: {  	v7 =	vld [tilespmem:s14+$0x2000]  }
0x10d: {  	v2 =	vadd.f32 v6, v2;
	v1 =	vadd.f32 v5, v1;
	v5 =	vld [tilespmem:s15+$0xB000]  }
0x10e: {  	v6 =	vld [tilespmem:s14+$0x2800]  }
0x10f: {  	v2 =	vadd.f32 v8, v2;
	v1 =	vadd.f32 v4, v1;
	v4 =	vld [tilespmem:s15+$0xB800]  }
0x110: {  	v8 =	vld [tilespmem:s14+$0x3000]  }
0x111: {  	v2 =	vadd.f32 v7, v2;
	v1 =	vadd.f32 v3, v1;
	v3 =	vld [tilespmem:s15+$0xC000]  }
0x112: {  	v7 =	vld [tilespmem:s14+$0x3800]  }
0x113: {  	v2 =	vadd.f32 v6, v2;
	v1 =	vadd.f32 v5, v1;
	v5 =	vld [tilespmem:s15+$0xC800]  }
0x114: {  	v6 =	vld [tilespmem:s14+$0x4000]  }
0x115: {  	v2 =	vadd.f32 v8, v2;
	v1 =	vadd.f32 v4, v1;
	v4 =	vld [tilespmem:s15+$0xD000]  }
0x116: {  	v8 =	vld [tilespmem:s14+$0x4800]  }
0x117: {  	v2 =	vadd.f32 v7, v2;
	v1 =	vadd.f32 v3, v1;
	v3 =	vld [tilespmem:s15+$0xD800]  }
0x118: {  	s13 =	sadd.s32 $0x10, s13;
	v7 =	vld [tilespmem:s14+$0x5000]  }
0x119: {  	v2 =	vadd.f32 v6, v2;
	v1 =	vadd.f32 v5, v1;
	v5 =	vld [tilespmem:s13+$0x0]  }
0x11a: {  	v6 =	vld [tilespmem:s14+$0x5800]  }
0x11b: {  	v2 =	vadd.f32 v8, v2;
	v1 =	vadd.f32 v4, v1;
	v4 =	vld [tilespmem:s15+$0xE800]  }
0x11c: {  	v8 =	vld [tilespmem:s14+$0x6000]  }
0x11d: {  	v2 =	vadd.f32 v7, v2;
	v1 =	vadd.f32 v3, v1;
	v3 =	vld [tilespmem:s15+$0xF000]  }
0x11e: {  	v7 =	vld [tilespmem:s14+$0x6800]  }
0x11f: {  	v2 =	vadd.f32 v6, v2;
	v0 =	vadd.f32 v0, v1;
	v6 =	vld [tilespmem:s15+$0xF800]  }
0x120: {  	v1 =	vld [tilespmem:s14+$0x7000]  }
0x121: {  	v2 =	vadd.f32 v8, v2;
	v4 =	vadd.f32 v4, v0;
	v8 =	vld.idx.msk [tilespmem:v5+s9+$0x0], $0xffff  }
0x122: {  	v5 =	vld [tilespmem:s14+$0x7800]  }
.Ltmp0:
0x123: {  	v2 =	vadd.f32 v7, v2;
	v0 =	vld [tilespmem:s14+$0xE000];
	v4 =	vadd.f32 v3, v4;
	(pc) =	sbr.rel @p0 .LBB2_2-.Ltmp0, $4  }
0x124: {  	v3 =	vld [tilespmem:s14+$0x8000]  }
0x125: {  	v7 =	vadd.f32 v1, v2;
	v1 =	vld [tilespmem:s14+$0x9000];
	v6 =	vadd.f32 v6, v4  }
0x126: {  	s16 =	sshra.s32 s17, $0x2;
	v4 =	vld [tilespmem:s14+$0x8800]  }
0x127: {  	s17 =	sadd.s32 $0x200, s17;
	v2 =	vld [tilespmem:s16+$0x0];
	v5 =	vadd.f32 v5, v7;
	v6 =	vadd.f32 v8, v6  }
0x128: {  	v7 =	vld [tilespmem:s16+$0x800]  }
0x129: {  	v8 =	vld [tilespmem:s14+$0x9800];
	[tilespmem:s15+$0x10000] =	vst v6  }
0x12a: {  	v6 =	vld [tilespmem:s16+$0x1000]  }
0x12b: {  	v3 =	vadd.f32 v3, v5  }
0x12c: {  	v18 =	vld [tilespmem:s16+$0x1800]  }
0x12d: {  	v19 =	vld [tilespmem:s14+$0xA000];
	v3 =	vadd.f32 v4, v3;
	v2 =	vadd.f32 v7, v2  }
0x12e: {  	v20 =	vld [tilespmem:s16+$0x2000]  }
0x12f: {  	v21 =	vld [tilespmem:s14+$0xA800];
	v1 =	vadd.f32 v1, v3;
	v2 =	vadd.f32 v6, v2  }
0x130: {  	v22 =	vld [tilespmem:s16+$0x2800]  }
0x131: {  	v23 =	vld [tilespmem:s14+$0xB000];
	v1 =	vadd.f32 v8, v1;
	v2 =	vadd.f32 v18, v2  }
0x132: {  	v24 =	vld [tilespmem:s16+$0x3000]  }
0x133: {  	v25 =	vld [tilespmem:s14+$0xB800];
	v1 =	vadd.f32 v19, v1;
	v2 =	vadd.f32 v20, v2  }
0x134: {  	v26 =	vld [tilespmem:s16+$0x3800]  }
0x135: {  	v27 =	vld [tilespmem:s14+$0xC000];
	v1 =	vadd.f32 v21, v1;
	v2 =	vadd.f32 v22, v2  }
0x136: {  	v28 =	vld [tilespmem:s16+$0x4000]  }
0x137: {  	v29 =	vld [tilespmem:s14+$0xC800];
	v1 =	vadd.f32 v23, v1;
	v2 =	vadd.f32 v24, v2  }
0x138: {  	v30 =	vld [tilespmem:s16+$0x4800]  }
0x139: {  	v31 =	vld [tilespmem:s14+$0xD000];
	v1 =	vadd.f32 v25, v1;
	v2 =	vadd.f32 v26, v2  }
0x13a: {  	v32 =	vld [tilespmem:s16+$0x5000]  }
0x13b: {  	v33 =	vld [tilespmem:s14+$0xD800];
	v1 =	vadd.f32 v27, v1;
	v2 =	vadd.f32 v28, v2  }
0x13c: {  	s13 =	sadd.s32 $0x10, s13;
	v34 =	vld [tilespmem:s16+$0x5800]  }
0x13d: {  	v35 =	vld [tilespmem:s13+$0x0];
	v1 =	vadd.f32 v29, v1;
	v2 =	vadd.f32 v30, v2  }
0x13e: {  	v36 =	vld [tilespmem:s16+$0x6000]  }
0x13f: {  	v37 =	vld [tilespmem:s14+$0xE800];
	v1 =	vadd.f32 v31, v1;
	v2 =	vadd.f32 v32, v2  }
0x140: {  	v38 =	vld [tilespmem:s16+$0x6800]  }
0x141: {  	v39 =	vld [tilespmem:s14+$0xF000];
	v1 =	vadd.f32 v33, v1;
	v2 =	vadd.f32 v34, v2  }
0x142: {  	v40 =	vld [tilespmem:s16+$0x7000]  }
0x143: {  	v41 =	vld [tilespmem:s14+$0xF800];
	v0 =	vadd.f32 v0, v1;
	v2 =	vadd.f32 v36, v2  }
0x144: {  	v42 =	vld [tilespmem:s16+$0x7800]  }
0x145: {  	v44 =	vld [tilespmem:s16+$0x8000];
	v0 =	vadd.f32 v37, v0;
	v2 =	vadd.f32 v38, v2  }
0x146: {  	v43 =	vld.idx.msk [tilespmem:v35+s9+$0x0], $0xffff  }
0x147: {  	v0 =	vadd.f32 v39, v0;
	v2 =	vadd.f32 v40, v2  }
0x148: {  	v45 =	vld [tilespmem:s16+$0x8800]  }
0x149: {  	v0 =	vadd.f32 v41, v0;
	v46 =	vadd.f32 v42, v2  }
0x14a: {  	v47 =	vld [tilespmem:s16+$0x9000]  }
0x14b: {  	v0 =	vadd.f32 v43, v0;
	v1 =	vadd.f32 v44, v46  }
0x14c: {  	v49 =	vld [tilespmem:s16+$0x9800]  }
0x14d: {  	v48 =	vld [tilespmem:s16+$0xE000];
	[tilespmem:s14+$0x10000] =	vst v0;
	v50 =	vadd.f32 v45, v1  }
0x14e: {  	v51 =	vld [tilespmem:s16+$0xA000]  }
0x14f: {  	v0 =	vadd.f32 v47, v50  }
0x150: {  	v52 =	vld [tilespmem:s16+$0xA800]  }
0x151: {  	v0 =	vadd.f32 v49, v0  }
0x152: {  	v53 =	vld [tilespmem:s16+$0xB000]  }
0x153: {  	v0 =	vadd.f32 v51, v0  }
0x154: {  	v54 =	vld [tilespmem:s16+$0xB800]  }
0x155: {  	v0 =	vadd.f32 v52, v0  }
0x156: {  	v55 =	vld [tilespmem:s16+$0xC000]  }
0x157: {  	v0 =	vadd.f32 v53, v0  }
0x158: {  	v56 =	vld [tilespmem:s16+$0xC800]  }
0x159: {  	v0 =	vadd.f32 v54, v0  }
0x15a: {  	v57 =	vld [tilespmem:s16+$0xD000]  }
0x15b: {  	v0 =	vadd.f32 v55, v0  }
0x15c: {  	v58 =	vld [tilespmem:s16+$0xD800]  }
0x15d: {  	s13 =	sadd.s32 $0x10, s13;
	v0 =	vadd.f32 v56, v0  }
0x15e: {  	v59 =	vld [tilespmem:s13+$0x0]  }
0x15f: {  	v0 =	vadd.f32 v57, v0  }
0x160: {  	v60 =	vld [tilespmem:s16+$0xE800]  }
0x161: {  	v0 =	vadd.f32 v58, v0  }
0x162: {  	v61 =	vld [tilespmem:s16+$0xF000]  }
0x163: {  	v0 =	vadd.f32 v48, v0  }
0x164: {  	v62 =	vld [tilespmem:s16+$0xF800]  }
0x165: {  	v0 =	vadd.f32 v60, v0  }
0x166: {  	v63 =	vld.idx.msk [tilespmem:v59+s9+$0x0], $0xffff  }
0x167: {  	v0 =	vadd.f32 v61, v0;
	_ =	sdelay $0x1  }
0x168: {  	v0 =	vadd.f32 v62, v0;
	_ =	sdelay $0x1  }
0x169: {  	s12 =	sadd.s32 $0x1, s12;
	v0 =	vadd.f32 v63, v0  }
0x16a: {  	p0 =	sne.s32 s12, s8  }
.Ltmp1:
0x16b: {  	s17 =	simm.s32 $0x10000;
	[tilespmem:s16+$0x10000] =	vst v0;
	(pc) =	sbr.rel @p0 .LBB2_1-.Ltmp1, $4  }
0x16c: {  	[hbm4b:s7+s2] =	stream.linear.scatter [tilespmem:s17], [sflag:$0x2], $0x800, $0x38;
	[tilespmem:$0x10980] =	vst v63  }
0x16d: {  	_ =	swait.ge [sflag:s11], $0x800  }
0x16e: {  	[sflag:s11] =	ssyncset.done $0x0  }
0x16f: {  	[sflag:s11] =	ssyncadd.s32 $0xFFFFF800  }
0x170: {  	_ =	sfence.sel $0x180000  }
0x171: {  	[bflag:$0x0] =	sbarrier.arrive $0xFFFF  }
0x172: {  	_ =	strace $0x9000004A  }
0x173: {  	s0 =	stileid.u32;
	[bflag:$0x2] =	sbarrier.arrive $0xFFFF  }
0x174: {  	p0 =	sne.s32 s0, $0x0;
	s0 =	rddreg [dreg:$0x2]  }
0x175: {  	s0 =	sadd.s32 @!p0 $0x100000, s0  }
0x176: {  	[sflag:s0] =	ssyncadd.tile.s32 @!p0 $0x1;
	_ =	shalt  }
.Lfunc_end2:
_tile_overlayer_lowered:
.L_overlay_start_2:
0x177: {  	(tag) =	ssettag $0x2  }
0x178: {  	s0 =	rddreg [dreg:$0x0];
	s2 =	stileid.u32  }
0x179: {  	s1 =	rddreg [dreg:$0x1];
	p0 =	sne.s32 s2, $0x0  }
0x17a: {  	s3 =	rddreg [dreg:$0x2];
	[bflag:$0x3] =	sbarrier.arrive $0xFFFF;
	s2 =	simm.s32 @!p0 $0x1C02  }
0x17b: {  	[timem:s3], [sflag:s2] =	dma.local @!p0 [hbm:s0], s1  }
0x17c: {  	s0 =	simm.s32 @!p0 $0x2  }
0x17d: {  	_ =	swait.ge @!p0 [sflag:s0], s1  }
0x17e: {  	s1 =	ssub.s32 @!p0 $0x0, s1;
	[sflag:s0] =	ssyncset.done @!p0 $0x0  }
0x17f: {  	[sflag:s0] =	ssyncadd.s32 @!p0 s1  }
0x180: {  	[bflag:$0x3] =	sbarrier.arrive $0xFFFF  }
0x181: {  	_ =	shalt  }

</sc_bundles>
